<compile_context>
chip_gen: v7x
topology: tpu7x:2x2x1
jax: 0.10.2.dev20260603
libtpu: 0.0.44.dev20260713+nightly
codegen_flags: <defaults>
</compile_context>

<pallas_src>
import functools

import jax
import jax.numpy as jnp
from jax import lax
from jax.experimental import pallas as pl
from jax.experimental.pallas import tpu as pltpu
from jax.experimental.pallas import tpu_sc as plsc

_NUM_CORES = 2
_NUM_SUBCORES = 16
_NUM_WORKERS = _NUM_CORES * _NUM_SUBCORES

_CHUNK = 128
_NBUF = 4
_TBLK = 4096


def _gather_kernel(
    n_pos, n_cols, d, table_hbm, idxt_hbm, out_hbm, idx_v, rows_v, gsem, ssem
):
    p_per_w = n_pos // _NUM_WORKERS
    cpj = p_per_w // _CHUNK
    n_chunks = n_cols * cpj
    wid = lax.axis_index("s") * _NUM_CORES + lax.axis_index("c")
    i0 = wid * p_per_w

    pltpu.sync_copy(idxt_hbm.at[:, pl.ds(i0, p_per_w)], idx_v)

    def _jc(t):
        return t // cpj, (t % cpj) * _CHUNK

    def _gather(t, b):
        j, c = _jc(t)
        pltpu.async_copy(
            table_hbm.at[idx_v.at[j, pl.ds(c, _CHUNK)]],
            rows_v.at[b],
            gsem.at[b],
        )

    def _store(t, b):
        j, c = _jc(t)
        pltpu.async_copy(
            rows_v.at[b],
            out_hbm.at[pl.ds(i0 + c, _CHUNK), j],
            ssem.at[b],
        )

    def _wait_gather(b):
        pltpu.make_async_copy(
            table_hbm.at[idx_v.at[0, pl.ds(0, _CHUNK)]], rows_v.at[b], gsem.at[b]
        ).wait()

    def _wait_store(b):
        pltpu.make_async_copy(
            rows_v.at[b],
            out_hbm.at[pl.ds(i0, _CHUNK), 0],
            ssem.at[b],
        ).wait()

    for b in range(_NBUF):
        _gather(b, b)

    @pl.loop(0, n_chunks - _NBUF, step=_NBUF)
    def _chunk_loop(t0):
        for b in range(_NBUF):
            t = t0 + b
            _wait_gather(b)
            _store(t, b)
            _wait_store(b)
            _gather(t + _NBUF, b)

    for b in range(_NBUF):
        _wait_gather(b)
        _store(n_chunks - _NBUF + b, b)
    for b in range(_NBUF):
        _wait_store(b)


def _embedding_gather(idx_t, table):
    n_cols, n_pos = idx_t.shape
    d = 64
    p_per_w = n_pos // _NUM_WORKERS

    mesh = plsc.VectorSubcoreMesh(core_axis_name="c", subcore_axis_name="s")
    kern = pl.kernel(
        functools.partial(_gather_kernel, n_pos, n_cols, d),
        out_type=jax.ShapeDtypeStruct((n_pos, n_cols, 2 * d), jnp.float32),
        mesh=mesh,
        scratch_types=[
            pltpu.VMEM((n_cols, p_per_w), jnp.int32),
            pltpu.VMEM((_NBUF, _CHUNK, 2 * d), jnp.float32),
            pltpu.SemaphoreType.DMA((_NBUF,)),
            pltpu.SemaphoreType.DMA((_NBUF,)),
        ],
        compiler_params=pltpu.CompilerParams(use_tc_tiling_on_sc=True),
    )
    return kern(table, idx_t)


def _transpose_block(wt_ref, out_ref):
    x = wt_ref[...]
    eye = (
        jax.lax.broadcasted_iota(jnp.int32, (64, 128), 0)
        == jax.lax.broadcasted_iota(jnp.int32, (64, 128), 1) % 64
    ).astype(jnp.float32)
    out_ref[...] = jax.lax.dot_general(
        x,
        eye,
        (((0,), (0,)), ((), ())),
        preferred_element_type=jnp.float32,
    )


def _stage_table(W_t):
    d, v = W_t.shape
    grid = pl.cdiv(v, _TBLK)
    return pl.pallas_call(
        _transpose_block,
        out_shape=jax.ShapeDtypeStruct((v, 2 * d), jnp.float32),
        grid=(grid,),
        in_specs=[pl.BlockSpec((d, _TBLK), lambda g: (0, g))],
        out_specs=pl.BlockSpec((_TBLK, 2 * d), lambda g: (g, 0)),
    )(W_t)


def kernel(input, W):
    table = _stage_table(W.T)
    wide = _embedding_gather(input.T.astype(jnp.int32), table)
    return wide[:, :, : W.shape[1]]

# --- scband reference (transcript-rebuilt; emitter-appended) ---
"""Pipeline reference for scband-condition-embegging-59433757442069 (READ-ONLY COPY).

The authoritative reference and input builder live on the scoring server;
editing this copy changes nothing except your own understanding.
"""

import jax, jax.numpy as jnp
import numpy as np


def setup_inputs(seed: int = 0) -> dict:
    key = jax.random.key(seed)
    k_idx, k_w = jax.random.split(key)
    input = jax.random.randint(k_idx, (16384, 26), 0, 1000000, dtype=jnp.int64 if jax.config.jax_enable_x64 else jnp.int32)
    W = jax.random.normal(k_w, (1000000, 64), dtype=jnp.float32)
    return {"input": input, "W": W}


def reference(input, W):
    # nn.Embedding forward: gather rows of the embedding table
    embedded = jnp.take(W, input, axis=0)
    return embedded

if __name__ == "__main__":
    import jax
    _d = setup_inputs()
    print(jax.jit(kernel)(*tuple(_d.values())))

</pallas_src>

<mosaic_0001>
#map = affine_map<(d0, d1) -> (0, 0)>
#map1 = affine_map<(d0, d1) -> (0, 0, 0)>
module attributes {stable_mosaic.version = 14 : i64} {
  func.func @_gather_kernel(%arg0: i32, %arg1: i32, %arg2: memref<1000000x128xf32, #tpu.memory_space<hbm>>, %arg3: memref<26x16384xi32, #tpu.memory_space<hbm>>, %arg4: memref<16384x26x128xf32, #tpu.memory_space<hbm>>, %arg5: memref<26x512xi32, #tpu.memory_space<vmem>>, %arg6: memref<4x128x128xf32, #tpu.memory_space<vmem>>, %arg7: memref<4x!tpu.dma_semaphore, #tpu.memory_space<semaphore_mem>>, %arg8: memref<4x!tpu.dma_semaphore, #tpu.memory_space<semaphore_mem>>) attributes {dimension_semantics = [#tpu.dimension_semantics<core_parallel>, #tpu.dimension_semantics<subcore_parallel>], iteration_bounds = array<i64: 2, 16>, scalar_prefetch = 0 : i64, scratch_operands = 4 : i64, tpu.core_type = #tpu.core_type<sc_vector_subcore>, window_params = [{transform_indices = #map}, {transform_indices = #map}, {transform_indices = #map1}]} {
    %mul3A = arith.constant 2 : i32
    %mul3A_0 = arith.muli %arg1, %mul3A : i32
    %add3A = arith.addi %mul3A_0, %arg0 : i32
    %mul3A_1 = arith.constant 512 : i32
    %mul3A_2 = arith.muli %add3A, %mul3A_1 : i32
    "tpu.region"() ({
      %run_scoped3A = tpu.sem_alloc : memref<!tpu.dma_semaphore, #tpu.memory_space<semaphore_mem>>
      %dma_start3A_285 = arith.constant 0 : i32
      %dma_start3A_286 = tpu.memref_slice %arg3[%dma_start3A_285, %mul3A_2] : memref<26x16384xi32, #tpu.memory_space<hbm>> -> memref<26x512xi32, #tpu.memory_space<hbm>>
      %dma_start3A_287 = arith.constant 0 : i32
      %dma_start3A_288 = tpu.memref_slice %arg3[%dma_start3A_287, %mul3A_2] : memref<26x16384xi32, #tpu.memory_space<hbm>> -> memref<26x512xi32, #tpu.memory_space<hbm>>
      tpu.enqueue_dma source(%dma_start3A_288 : memref<26x512xi32, #tpu.memory_space<hbm>>) target(%arg5 : memref<26x512xi32, #tpu.memory_space<vmem>>) target_semaphore(%run_scoped3A : memref<!tpu.dma_semaphore, #tpu.memory_space<semaphore_mem>>)
      %dma_wait3A_289 = arith.constant 0 : i32
      %dma_wait3A_290 = tpu.memref_slice %arg3[%dma_wait3A_289, %mul3A_2] : memref<26x16384xi32, #tpu.memory_space<hbm>> -> memref<26x512xi32, #tpu.memory_space<hbm>>
      %dma_wait3A_291 = arith.constant 0 : i32
      %dma_wait3A_292 = tpu.memref_slice %arg3[%dma_wait3A_291, %mul3A_2] : memref<26x16384xi32, #tpu.memory_space<hbm>> -> memref<26x512xi32, #tpu.memory_space<hbm>>
      tpu.wait_dma2 semaphore(%run_scoped3A : memref<!tpu.dma_semaphore, #tpu.memory_space<semaphore_mem>>) src(%dma_wait3A_292 : memref<26x512xi32, #tpu.memory_space<hbm>>) dst(%arg5 : memref<26x512xi32, #tpu.memory_space<vmem>>)
      tpu.yield
    }) : () -> ()
    %dma_start3A = arith.constant 0 : i32
    %dma_start3A_3 = arith.constant 0 : i32
    %dma_start3A_4 = arith.constant 0 : i32
    %dma_start3A_5 = arith.constant 0 : i32
    %dma_start3A_6 = arith.constant 0 : i32
    %dma_start3A_7 = tpu.memref_slice %arg6[%dma_start3A_3, %dma_start3A_5, %dma_start3A_6] : memref<4x128x128xf32, #tpu.memory_space<vmem>> -> memref<1x128x128xf32, #tpu.memory_space<vmem>>
    %dma_start3A_8 = tpu.memref_squeeze %dma_start3A_7 : memref<1x128x128xf32, #tpu.memory_space<vmem>> -> memref<128x128xf32, #tpu.memory_space<vmem>>
    %dma_start3A_9 = arith.constant 0 : i32
    %dma_start3A_10 = tpu.memref_slice %arg5[%dma_start3A, %dma_start3A_9] : memref<26x512xi32, #tpu.memory_space<vmem>> -> memref<1x128xi32, #tpu.memory_space<vmem>>
    %dma_start3A_11 = tpu.memref_squeeze %dma_start3A_10 : memref<1x128xi32, #tpu.memory_space<vmem>> -> memref<128xi32, #tpu.memory_space<vmem>>
    %dma_start3A_12 = arith.constant 0 : i32
    %dma_start3A_13 = arith.constant 0 : i32
    %dma_start3A_14 = tpu.memref_slice %arg2[%dma_start3A_12, %dma_start3A_13] : memref<1000000x128xf32, #tpu.memory_space<hbm>> -> memref<1000000x128xf32, #tpu.memory_space<hbm>>
    %dma_start3A_15 = tpu.memref_slice %arg7[%dma_start3A_4] : memref<4x!tpu.dma_semaphore, #tpu.memory_space<semaphore_mem>> -> memref<1x!tpu.dma_semaphore, #tpu.memory_space<semaphore_mem>>
    %dma_start3A_16 = tpu.memref_squeeze %dma_start3A_15 : memref<1x!tpu.dma_semaphore, #tpu.memory_space<semaphore_mem>> -> memref<!tpu.dma_semaphore, #tpu.memory_space<semaphore_mem>>
    tpu.enqueue_indirect_dma source(%dma_start3A_14 : memref<1000000x128xf32, #tpu.memory_space<hbm>>) target(%dma_start3A_8 : memref<128x128xf32, #tpu.memory_space<vmem>>) offsets(%dma_start3A_11 : memref<128xi32, #tpu.memory_space<vmem>>) semaphore(%dma_start3A_16 : memref<!tpu.dma_semaphore, #tpu.memory_space<semaphore_mem>>)
    %dma_start3A_17 = arith.constant 0 : i32
    %dma_start3A_18 = arith.constant 1 : i32
    %dma_start3A_19 = arith.constant 1 : i32
    %dma_start3A_20 = arith.constant 0 : i32
    %dma_start3A_21 = arith.constant 0 : i32
    %dma_start3A_22 = tpu.memref_slice %arg6[%dma_start3A_18, %dma_start3A_20, %dma_start3A_21] : memref<4x128x128xf32, #tpu.memory_space<vmem>> -> memref<1x128x128xf32, #tpu.memory_space<vmem>>
    %dma_start3A_23 = tpu.memref_squeeze %dma_start3A_22 : memref<1x128x128xf32, #tpu.memory_space<vmem>> -> memref<128x128xf32, #tpu.memory_space<vmem>>
    %dma_start3A_24 = arith.constant 128 : i32
    %dma_start3A_25 = tpu.memref_slice %arg5[%dma_start3A_17, %dma_start3A_24] : memref<26x512xi32, #tpu.memory_space<vmem>> -> memref<1x128xi32, #tpu.memory_space<vmem>>
    %dma_start3A_26 = tpu.memref_squeeze %dma_start3A_25 : memref<1x128xi32, #tpu.memory_space<vmem>> -> memref<128xi32, #tpu.memory_space<vmem>>
    %dma_start3A_27 = arith.constant 0 : i32
    %dma_start3A_28 = arith.constant 0 : i32
    %dma_start3A_29 = tpu.memref_slice %arg2[%dma_start3A_27, %dma_start3A_28] : memref<1000000x128xf32, #tpu.memory_space<hbm>> -> memref<1000000x128xf32, #tpu.memory_space<hbm>>
    %dma_start3A_30 = tpu.memref_slice %arg7[%dma_start3A_19] : memref<4x!tpu.dma_semaphore, #tpu.memory_space<semaphore_mem>> -> memref<1x!tpu.dma_semaphore, #tpu.memory_space<semaphore_mem>>
    %dma_start3A_31 = tpu.memref_squeeze %dma_start3A_30 : memref<1x!tpu.dma_semaphore, #tpu.memory_space<semaphore_mem>> -> memref<!tpu.dma_semaphore, #tpu.memory_space<semaphore_mem>>
    tpu.enqueue_indirect_dma source(%dma_start3A_29 : memref<1000000x128xf32, #tpu.memory_space<hbm>>) target(%dma_start3A_23 : memref<128x128xf32, #tpu.memory_space<vmem>>) offsets(%dma_start3A_26 : memref<128xi32, #tpu.memory_space<vmem>>) semaphore(%dma_start3A_31 : memref<!tpu.dma_semaphore, #tpu.memory_space<semaphore_mem>>)
    %dma_start3A_32 = arith.constant 0 : i32
    %dma_start3A_33 = arith.constant 2 : i32
    %dma_start3A_34 = arith.constant 2 : i32
    %dma_start3A_35 = arith.constant 0 : i32
    %dma_start3A_36 = arith.constant 0 : i32
    %dma_start3A_37 = tpu.memref_slice %arg6[%dma_start3A_33, %dma_start3A_35, %dma_start3A_36] : memref<4x128x128xf32, #tpu.memory_space<vmem>> -> memref<1x128x128xf32, #tpu.memory_space<vmem>>
    %dma_start3A_38 = tpu.memref_squeeze %dma_start3A_37 : memref<1x128x128xf32, #tpu.memory_space<vmem>> -> memref<128x128xf32, #tpu.memory_space<vmem>>
    %dma_start3A_39 = arith.constant 256 : i32
    %dma_start3A_40 = tpu.memref_slice %arg5[%dma_start3A_32, %dma_start3A_39] : memref<26x512xi32, #tpu.memory_space<vmem>> -> memref<1x128xi32, #tpu.memory_space<vmem>>
    %dma_start3A_41 = tpu.memref_squeeze %dma_start3A_40 : memref<1x128xi32, #tpu.memory_space<vmem>> -> memref<128xi32, #tpu.memory_space<vmem>>
    %dma_start3A_42 = arith.constant 0 : i32
    %dma_start3A_43 = arith.constant 0 : i32
    %dma_start3A_44 = tpu.memref_slice %arg2[%dma_start3A_42, %dma_start3A_43] : memref<1000000x128xf32, #tpu.memory_space<hbm>> -> memref<1000000x128xf32, #tpu.memory_space<hbm>>
    %dma_start3A_45 = tpu.memref_slice %arg7[%dma_start3A_34] : memref<4x!tpu.dma_semaphore, #tpu.memory_space<semaphore_mem>> -> memref<1x!tpu.dma_semaphore, #tpu.memory_space<semaphore_mem>>
    %dma_start3A_46 = tpu.memref_squeeze %dma_start3A_45 : memref<1x!tpu.dma_semaphore, #tpu.memory_space<semaphore_mem>> -> memref<!tpu.dma_semaphore, #tpu.memory_space<semaphore_mem>>
    tpu.enqueue_indirect_dma source(%dma_start3A_44 : memref<1000000x128xf32, #tpu.memory_space<hbm>>) target(%dma_start3A_38 : memref<128x128xf32, #tpu.memory_space<vmem>>) offsets(%dma_start3A_41 : memref<128xi32, #tpu.memory_space<vmem>>) semaphore(%dma_start3A_46 : memref<!tpu.dma_semaphore, #tpu.memory_space<semaphore_mem>>)
    %dma_start3A_47 = arith.constant 0 : i32
    %dma_start3A_48 = arith.constant 3 : i32
    %dma_start3A_49 = arith.constant 3 : i32
    %dma_start3A_50 = arith.constant 0 : i32
    %dma_start3A_51 = arith.constant 0 : i32
    %dma_start3A_52 = tpu.memref_slice %arg6[%dma_start3A_48, %dma_start3A_50, %dma_start3A_51] : memref<4x128x128xf32, #tpu.memory_space<vmem>> -> memref<1x128x128xf32, #tpu.memory_space<vmem>>
    %dma_start3A_53 = tpu.memref_squeeze %dma_start3A_52 : memref<1x128x128xf32, #tpu.memory_space<vmem>> -> memref<128x128xf32, #tpu.memory_space<vmem>>
    %dma_start3A_54 = arith.constant 384 : i32
    %dma_start3A_55 = tpu.memref_slice %arg5[%dma_start3A_47, %dma_start3A_54] : memref<26x512xi32, #tpu.memory_space<vmem>> -> memref<1x128xi32, #tpu.memory_space<vmem>>
    %dma_start3A_56 = tpu.memref_squeeze %dma_start3A_55 : memref<1x128xi32, #tpu.memory_space<vmem>> -> memref<128xi32, #tpu.memory_space<vmem>>
    %dma_start3A_57 = arith.constant 0 : i32
    %dma_start3A_58 = arith.constant 0 : i32
    %dma_start3A_59 = tpu.memref_slice %arg2[%dma_start3A_57, %dma_start3A_58] : memref<1000000x128xf32, #tpu.memory_space<hbm>> -> memref<1000000x128xf32, #tpu.memory_space<hbm>>
    %dma_start3A_60 = tpu.memref_slice %arg7[%dma_start3A_49] : memref<4x!tpu.dma_semaphore, #tpu.memory_space<semaphore_mem>> -> memref<1x!tpu.dma_semaphore, #tpu.memory_space<semaphore_mem>>
    %dma_start3A_61 = tpu.memref_squeeze %dma_start3A_60 : memref<1x!tpu.dma_semaphore, #tpu.memory_space<semaphore_mem>> -> memref<!tpu.dma_semaphore, #tpu.memory_space<semaphore_mem>>
    tpu.enqueue_indirect_dma source(%dma_start3A_59 : memref<1000000x128xf32, #tpu.memory_space<hbm>>) target(%dma_start3A_53 : memref<128x128xf32, #tpu.memory_space<vmem>>) offsets(%dma_start3A_56 : memref<128xi32, #tpu.memory_space<vmem>>) semaphore(%dma_start3A_61 : memref<!tpu.dma_semaphore, #tpu.memory_space<semaphore_mem>>)
    %scan3A = arith.constant 0 : i32
    %scan3A_62 = arith.constant 25 : i32
    %scan3A_63 = arith.addi %scan3A, %scan3A_62 : i32
    %scan3A_64 = arith.constant 1 : i32
    scf.for %scan3A_285 = %scan3A to %scan3A_63 step %scan3A_64  : i32 {
      %mul3A_286 = arith.constant 4 : i32
      %mul3A_287 = arith.muli %scan3A_285, %mul3A_286 : i32
      %add3A_288 = arith.constant 0 : i32
      %add3A_289 = arith.addi %add3A_288, %mul3A_287 : i32
      %add3A_290 = arith.constant 0 : i32
      %add3A_291 = arith.addi %add3A_289, %add3A_290 : i32
      %dma_wait3A_292 = arith.constant 0 : i32
      %dma_wait3A_293 = arith.constant 0 : i32
      %dma_wait3A_294 = arith.constant 0 : i32
      %dma_wait3A_295 = arith.constant 0 : i32
      %dma_wait3A_296 = arith.constant 0 : i32
      %dma_wait3A_297 = tpu.memref_slice %arg6[%dma_wait3A_293, %dma_wait3A_295, %dma_wait3A_296] : memref<4x128x128xf32, #tpu.memory_space<vmem>> -> memref<1x128x128xf32, #tpu.memory_space<vmem>>
      %dma_wait3A_298 = tpu.memref_squeeze %dma_wait3A_297 : memref<1x128x128xf32, #tpu.memory_space<vmem>> -> memref<128x128xf32, #tpu.memory_space<vmem>>
      %dma_wait3A_299 = arith.constant 0 : i32
      %dma_wait3A_300 = tpu.memref_slice %arg5[%dma_wait3A_292, %dma_wait3A_299] : memref<26x512xi32, #tpu.memory_space<vmem>> -> memref<1x128xi32, #tpu.memory_space<vmem>>
      %dma_wait3A_301 = tpu.memref_squeeze %dma_wait3A_300 : memref<1x128xi32, #tpu.memory_space<vmem>> -> memref<128xi32, #tpu.memory_space<vmem>>
      %dma_wait3A_302 = arith.constant 0 : i32
      %dma_wait3A_303 = arith.constant 0 : i32
      %dma_wait3A_304 = tpu.memref_slice %arg2[%dma_wait3A_302, %dma_wait3A_303] : memref<1000000x128xf32, #tpu.memory_space<hbm>> -> memref<1000000x128xf32, #tpu.memory_space<hbm>>
      %dma_wait3A_305 = tpu.memref_slice %arg7[%dma_wait3A_294] : memref<4x!tpu.dma_semaphore, #tpu.memory_space<semaphore_mem>> -> memref<1x!tpu.dma_semaphore, #tpu.memory_space<semaphore_mem>>
      %dma_wait3A_306 = tpu.memref_squeeze %dma_wait3A_305 : memref<1x!tpu.dma_semaphore, #tpu.memory_space<semaphore_mem>> -> memref<!tpu.dma_semaphore, #tpu.memory_space<semaphore_mem>>
      tpu.wait_indirect_dma semaphore(%dma_wait3A_306 : memref<!tpu.dma_semaphore, #tpu.memory_space<semaphore_mem>>) src(%dma_wait3A_304 : memref<1000000x128xf32, #tpu.memory_space<hbm>>) dst(%dma_wait3A_298 : memref<128x128xf32, #tpu.memory_space<vmem>>)
      %jit3A = arith.constant 4 : i32
      %div3A = arith.divsi %add3A_291, %jit3A : i32
      %sign3A = arith.constant 0 : i32
      %sign3A_307 = arith.cmpi sgt, %add3A_291, %sign3A : i32
      %sign3A_308 = arith.extui %sign3A_307 : i1 to i32
      %sign3A_309 = arith.constant 0 : i32
      %sign3A_310 = arith.cmpi slt, %add3A_291, %sign3A_309 : i32
      %sign3A_311 = arith.extui %sign3A_310 : i1 to i32
      %sign3A_312 = arith.subi %sign3A_308, %sign3A_311 : i32
      %sign3A_313 = arith.constant 0 : i32
      %sign3A_314 = arith.cmpi sgt, %jit3A, %sign3A_313 : i32
      %sign3A_315 = arith.extui %sign3A_314 : i1 to i32
      %sign3A_316 = arith.constant 0 : i32
      %sign3A_317 = arith.cmpi slt, %jit3A, %sign3A_316 : i32
      %sign3A_318 = arith.extui %sign3A_317 : i1 to i32
      %sign3A_319 = arith.subi %sign3A_315, %sign3A_318 : i32
      %ne3A = arith.cmpi ne, %sign3A_312, %sign3A_319 : i32
      %rem3A = arith.remsi %add3A_291, %jit3A : i32
      %ne3A_320 = arith.constant 0 : i32
      %ne3A_321 = arith.cmpi ne, %rem3A, %ne3A_320 : i32
      %and3A = arith.andi %ne3A, %ne3A_321 : i1
      %sub3A = arith.constant 1 : i32
      %sub3A_322 = arith.subi %div3A, %sub3A : i32
      %select_n3A = arith.select %and3A, %sub3A_322, %div3A : i32
      %jit3A_323 = arith.constant 4 : i32
      %eq3A = arith.constant 0 : i32
      %eq3A_324 = arith.cmpi eq, %jit3A_323, %eq3A : i32
      %jit3A_325 = arith.constant 1 : i32
      %select_n3A_326 = arith.select %eq3A_324, %jit3A_325, %jit3A_323 : i32
      %rem3A_327 = arith.remsi %add3A_291, %select_n3A_326 : i32
      %ne3A_328 = arith.constant 0 : i32
      %ne3A_329 = arith.cmpi ne, %rem3A_327, %ne3A_328 : i32
      %lt3A = arith.constant 0 : i32
      %lt3A_330 = arith.cmpi slt, %rem3A_327, %lt3A : i32
      %lt3A_331 = arith.constant 0 : i32
      %lt3A_332 = arith.cmpi slt, %select_n3A_326, %lt3A_331 : i32
      %ne3A_333 = arith.xori %lt3A_330, %lt3A_332 : i1
      %and3A_334 = arith.andi %ne3A_333, %ne3A_329 : i1
      %add3A_335 = arith.addi %rem3A_327, %select_n3A_326 : i32
      %select_n3A_336 = arith.select %and3A_334, %add3A_335, %rem3A_327 : i32
      %mul3A_337 = arith.constant 128 : i32
      %mul3A_338 = arith.muli %select_n3A_336, %mul3A_337 : i32
      %add3A_339 = arith.addi %mul3A_2, %mul3A_338 : i32
      %dma_start3A_340 = arith.constant 0 : i32
      %dma_start3A_341 = arith.constant 0 : i32
      %dma_start3A_342 = arith.constant 0 : i32
      %dma_start3A_343 = arith.constant 0 : i32
      %dma_start3A_344 = tpu.memref_slice %arg6[%dma_start3A_340, %dma_start3A_342, %dma_start3A_343] : memref<4x128x128xf32, #tpu.memory_space<vmem>> -> memref<1x128x128xf32, #tpu.memory_space<vmem>>
      %dma_start3A_345 = tpu.memref_squeeze %dma_start3A_344 : memref<1x128x128xf32, #tpu.memory_space<vmem>> -> memref<128x128xf32, #tpu.memory_space<vmem>>
      %dma_start3A_346 = arith.constant 0 : i32
      %dma_start3A_347 = tpu.memref_slice %arg4[%add3A_339, %select_n3A, %dma_start3A_346] : memref<16384x26x128xf32, #tpu.memory_space<hbm>> -> memref<128x1x128xf32, #tpu.memory_space<hbm>>
      %dma_start3A_348 = tpu.memref_squeeze %dma_start3A_347 : memref<128x1x128xf32, #tpu.memory_space<hbm>> -> memref<128x128xf32, #tpu.memory_space<hbm>>
      %dma_start3A_349 = tpu.memref_slice %arg8[%dma_start3A_341] : memref<4x!tpu.dma_semaphore, #tpu.memory_space<semaphore_mem>> -> memref<1x!tpu.dma_semaphore, #tpu.memory_space<semaphore_mem>>
      %dma_start3A_350 = tpu.memref_squeeze %dma_start3A_349 : memref<1x!tpu.dma_semaphore, #tpu.memory_space<semaphore_mem>> -> memref<!tpu.dma_semaphore, #tpu.memory_space<semaphore_mem>>
      %dma_start3A_351 = arith.constant 0 : i32
      %dma_start3A_352 = tpu.memref_slice %arg4[%add3A_339, %select_n3A, %dma_start3A_351] : memref<16384x26x128xf32, #tpu.memory_space<hbm>> -> memref<128x1x128xf32, #tpu.memory_space<hbm>>
      %dma_start3A_353 = tpu.memref_squeeze %dma_start3A_352 : memref<128x1x128xf32, #tpu.memory_space<hbm>> -> memref<128x128xf32, #tpu.memory_space<hbm>>
      %dma_start3A_354 = arith.constant 0 : i32
      %dma_start3A_355 = arith.constant 0 : i32
      %dma_start3A_356 = tpu.memref_slice %arg6[%dma_start3A_340, %dma_start3A_354, %dma_start3A_355] : memref<4x128x128xf32, #tpu.memory_space<vmem>> -> memref<1x128x128xf32, #tpu.memory_space<vmem>>
      %dma_start3A_357 = tpu.memref_squeeze %dma_start3A_356 : memref<1x128x128xf32, #tpu.memory_space<vmem>> -> memref<128x128xf32, #tpu.memory_space<vmem>>
      tpu.enqueue_dma source(%dma_start3A_357 : memref<128x128xf32, #tpu.memory_space<vmem>>) target(%dma_start3A_353 : memref<128x128xf32, #tpu.memory_space<hbm>>) target_semaphore(%dma_start3A_350 : memref<!tpu.dma_semaphore, #tpu.memory_space<semaphore_mem>>)
      %dma_wait3A_358 = arith.constant 0 : i32
      %dma_wait3A_359 = arith.constant 0 : i32
      %dma_wait3A_360 = arith.constant 0 : i32
      %dma_wait3A_361 = arith.constant 0 : i32
      %dma_wait3A_362 = arith.constant 0 : i32
      %dma_wait3A_363 = tpu.memref_slice %arg6[%dma_wait3A_358, %dma_wait3A_361, %dma_wait3A_362] : memref<4x128x128xf32, #tpu.memory_space<vmem>> -> memref<1x128x128xf32, #tpu.memory_space<vmem>>
      %dma_wait3A_364 = tpu.memref_squeeze %dma_wait3A_363 : memref<1x128x128xf32, #tpu.memory_space<vmem>> -> memref<128x128xf32, #tpu.memory_space<vmem>>
      %dma_wait3A_365 = arith.constant 0 : i32
      %dma_wait3A_366 = tpu.memref_slice %arg4[%mul3A_2, %dma_wait3A_359, %dma_wait3A_365] : memref<16384x26x128xf32, #tpu.memory_space<hbm>> -> memref<128x1x128xf32, #tpu.memory_space<hbm>>
      %dma_wait3A_367 = tpu.memref_squeeze %dma_wait3A_366 : memref<128x1x128xf32, #tpu.memory_space<hbm>> -> memref<128x128xf32, #tpu.memory_space<hbm>>
      %dma_wait3A_368 = tpu.memref_slice %arg8[%dma_wait3A_360] : memref<4x!tpu.dma_semaphore, #tpu.memory_space<semaphore_mem>> -> memref<1x!tpu.dma_semaphore, #tpu.memory_space<semaphore_mem>>
      %dma_wait3A_369 = tpu.memref_squeeze %dma_wait3A_368 : memref<1x!tpu.dma_semaphore, #tpu.memory_space<semaphore_mem>> -> memref<!tpu.dma_semaphore, #tpu.memory_space<semaphore_mem>>
      %dma_wait3A_370 = arith.constant 0 : i32
      %dma_wait3A_371 = tpu.memref_slice %arg4[%mul3A_2, %dma_wait3A_359, %dma_wait3A_370] : memref<16384x26x128xf32, #tpu.memory_space<hbm>> -> memref<128x1x128xf32, #tpu.memory_space<hbm>>
      %dma_wait3A_372 = tpu.memref_squeeze %dma_wait3A_371 : memref<128x1x128xf32, #tpu.memory_space<hbm>> -> memref<128x128xf32, #tpu.memory_space<hbm>>
      %dma_wait3A_373 = arith.constant 0 : i32
      %dma_wait3A_374 = arith.constant 0 : i32
      %dma_wait3A_375 = tpu.memref_slice %arg6[%dma_wait3A_358, %dma_wait3A_373, %dma_wait3A_374] : memref<4x128x128xf32, #tpu.memory_space<vmem>> -> memref<1x128x128xf32, #tpu.memory_space<vmem>>
      %dma_wait3A_376 = tpu.memref_squeeze %dma_wait3A_375 : memref<1x128x128xf32, #tpu.memory_space<vmem>> -> memref<128x128xf32, #tpu.memory_space<vmem>>
      tpu.wait_dma2 semaphore(%dma_wait3A_369 : memref<!tpu.dma_semaphore, #tpu.memory_space<semaphore_mem>>) src(%dma_wait3A_376 : memref<128x128xf32, #tpu.memory_space<vmem>>) dst(%dma_wait3A_372 : memref<128x128xf32, #tpu.memory_space<hbm>>)
      %add3A_377 = arith.constant 4 : i32
      %add3A_378 = arith.addi %add3A_291, %add3A_377 : i32
      %jit3A_379 = arith.constant 4 : i32
      %div3A_380 = arith.divsi %add3A_378, %jit3A_379 : i32
      %sign3A_381 = arith.constant 0 : i32
      %sign3A_382 = arith.cmpi sgt, %add3A_378, %sign3A_381 : i32
      %sign3A_383 = arith.extui %sign3A_382 : i1 to i32
      %sign3A_384 = arith.constant 0 : i32
      %sign3A_385 = arith.cmpi slt, %add3A_378, %sign3A_384 : i32
      %sign3A_386 = arith.extui %sign3A_385 : i1 to i32
      %sign3A_387 = arith.subi %sign3A_383, %sign3A_386 : i32
      %sign3A_388 = arith.constant 0 : i32
      %sign3A_389 = arith.cmpi sgt, %jit3A_379, %sign3A_388 : i32
      %sign3A_390 = arith.extui %sign3A_389 : i1 to i32
      %sign3A_391 = arith.constant 0 : i32
      %sign3A_392 = arith.cmpi slt, %jit3A_379, %sign3A_391 : i32
      %sign3A_393 = arith.extui %sign3A_392 : i1 to i32
      %sign3A_394 = arith.subi %sign3A_390, %sign3A_393 : i32
      %ne3A_395 = arith.cmpi ne, %sign3A_387, %sign3A_394 : i32
      %rem3A_396 = arith.remsi %add3A_378, %jit3A_379 : i32
      %ne3A_397 = arith.constant 0 : i32
      %ne3A_398 = arith.cmpi ne, %rem3A_396, %ne3A_397 : i32
      %and3A_399 = arith.andi %ne3A_395, %ne3A_398 : i1
      %sub3A_400 = arith.constant 1 : i32
      %sub3A_401 = arith.subi %div3A_380, %sub3A_400 : i32
      %select_n3A_402 = arith.select %and3A_399, %sub3A_401, %div3A_380 : i32
      %jit3A_403 = arith.constant 4 : i32
      %eq3A_404 = arith.constant 0 : i32
      %eq3A_405 = arith.cmpi eq, %jit3A_403, %eq3A_404 : i32
      %jit3A_406 = arith.constant 1 : i32
      %select_n3A_407 = arith.select %eq3A_405, %jit3A_406, %jit3A_403 : i32
      %rem3A_408 = arith.remsi %add3A_378, %select_n3A_407 : i32
      %ne3A_409 = arith.constant 0 : i32
      %ne3A_410 = arith.cmpi ne, %rem3A_408, %ne3A_409 : i32
      %lt3A_411 = arith.constant 0 : i32
      %lt3A_412 = arith.cmpi slt, %rem3A_408, %lt3A_411 : i32
      %lt3A_413 = arith.constant 0 : i32
      %lt3A_414 = arith.cmpi slt, %select_n3A_407, %lt3A_413 : i32
      %ne3A_415 = arith.xori %lt3A_412, %lt3A_414 : i1
      %and3A_416 = arith.andi %ne3A_415, %ne3A_410 : i1
      %add3A_417 = arith.addi %rem3A_408, %select_n3A_407 : i32
      %select_n3A_418 = arith.select %and3A_416, %add3A_417, %rem3A_408 : i32
      %mul3A_419 = arith.constant 128 : i32
      %mul3A_420 = arith.muli %select_n3A_418, %mul3A_419 : i32
      %dma_start3A_421 = arith.constant 0 : i32
      %dma_start3A_422 = arith.constant 0 : i32
      %dma_start3A_423 = arith.constant 0 : i32
      %dma_start3A_424 = arith.constant 0 : i32
      %dma_start3A_425 = tpu.memref_slice %arg6[%dma_start3A_421, %dma_start3A_423, %dma_start3A_424] : memref<4x128x128xf32, #tpu.memory_space<vmem>> -> memref<1x128x128xf32, #tpu.memory_space<vmem>>
      %dma_start3A_426 = tpu.memref_squeeze %dma_start3A_425 : memref<1x128x128xf32, #tpu.memory_space<vmem>> -> memref<128x128xf32, #tpu.memory_space<vmem>>
      %dma_start3A_427 = tpu.memref_slice %arg5[%select_n3A_402, %mul3A_420] : memref<26x512xi32, #tpu.memory_space<vmem>> -> memref<1x128xi32, #tpu.memory_space<vmem>>
      %dma_start3A_428 = tpu.memref_squeeze %dma_start3A_427 : memref<1x128xi32, #tpu.memory_space<vmem>> -> memref<128xi32, #tpu.memory_space<vmem>>
      %dma_start3A_429 = arith.constant 0 : i32
      %dma_start3A_430 = arith.constant 0 : i32
      %dma_start3A_431 = tpu.memref_slice %arg2[%dma_start3A_429, %dma_start3A_430] : memref<1000000x128xf32, #tpu.memory_space<hbm>> -> memref<1000000x128xf32, #tpu.memory_space<hbm>>
      %dma_start3A_432 = tpu.memref_slice %arg7[%dma_start3A_422] : memref<4x!tpu.dma_semaphore, #tpu.memory_space<semaphore_mem>> -> memref<1x!tpu.dma_semaphore, #tpu.memory_space<semaphore_mem>>
      %dma_start3A_433 = tpu.memref_squeeze %dma_start3A_432 : memref<1x!tpu.dma_semaphore, #tpu.memory_space<semaphore_mem>> -> memref<!tpu.dma_semaphore, #tpu.memory_space<semaphore_mem>>
      tpu.enqueue_indirect_dma source(%dma_start3A_431 : memref<1000000x128xf32, #tpu.memory_space<hbm>>) target(%dma_start3A_426 : memref<128x128xf32, #tpu.memory_space<vmem>>) offsets(%dma_start3A_428 : memref<128xi32, #tpu.memory_space<vmem>>) semaphore(%dma_start3A_433 : memref<!tpu.dma_semaphore, #tpu.memory_space<semaphore_mem>>)
      %add3A_434 = arith.constant 1 : i32
      %add3A_435 = arith.addi %add3A_289, %add3A_434 : i32
      %dma_wait3A_436 = arith.constant 0 : i32
      %dma_wait3A_437 = arith.constant 1 : i32
      %dma_wait3A_438 = arith.constant 1 : i32
      %dma_wait3A_439 = arith.constant 0 : i32
      %dma_wait3A_440 = arith.constant 0 : i32
      %dma_wait3A_441 = tpu.memref_slice %arg6[%dma_wait3A_437, %dma_wait3A_439, %dma_wait3A_440] : memref<4x128x128xf32, #tpu.memory_space<vmem>> -> memref<1x128x128xf32, #tpu.memory_space<vmem>>
      %dma_wait3A_442 = tpu.memref_squeeze %dma_wait3A_441 : memref<1x128x128xf32, #tpu.memory_space<vmem>> -> memref<128x128xf32, #tpu.memory_space<vmem>>
      %dma_wait3A_443 = arith.constant 0 : i32
      %dma_wait3A_444 = tpu.memref_slice %arg5[%dma_wait3A_436, %dma_wait3A_443] : memref<26x512xi32, #tpu.memory_space<vmem>> -> memref<1x128xi32, #tpu.memory_space<vmem>>
      %dma_wait3A_445 = tpu.memref_squeeze %dma_wait3A_444 : memref<1x128xi32, #tpu.memory_space<vmem>> -> memref<128xi32, #tpu.memory_space<vmem>>
      %dma_wait3A_446 = arith.constant 0 : i32
      %dma_wait3A_447 = arith.constant 0 : i32
      %dma_wait3A_448 = tpu.memref_slice %arg2[%dma_wait3A_446, %dma_wait3A_447] : memref<1000000x128xf32, #tpu.memory_space<hbm>> -> memref<1000000x128xf32, #tpu.memory_space<hbm>>
      %dma_wait3A_449 = tpu.memref_slice %arg7[%dma_wait3A_438] : memref<4x!tpu.dma_semaphore, #tpu.memory_space<semaphore_mem>> -> memref<1x!tpu.dma_semaphore, #tpu.memory_space<semaphore_mem>>
      %dma_wait3A_450 = tpu.memref_squeeze %dma_wait3A_449 : memref<1x!tpu.dma_semaphore, #tpu.memory_space<semaphore_mem>> -> memref<!tpu.dma_semaphore, #tpu.memory_space<semaphore_mem>>
      tpu.wait_indirect_dma semaphore(%dma_wait3A_450 : memref<!tpu.dma_semaphore, #tpu.memory_space<semaphore_mem>>) src(%dma_wait3A_448 : memref<1000000x128xf32, #tpu.memory_space<hbm>>) dst(%dma_wait3A_442 : memref<128x128xf32, #tpu.memory_space<vmem>>)
      %jit3A_451 = arith.constant 4 : i32
      %div3A_452 = arith.divsi %add3A_435, %jit3A_451 : i32
      %sign3A_453 = arith.constant 0 : i32
      %sign3A_454 = arith.cmpi sgt, %add3A_435, %sign3A_453 : i32
      %sign3A_455 = arith.extui %sign3A_454 : i1 to i32
      %sign3A_456 = arith.constant 0 : i32
      %sign3A_457 = arith.cmpi slt, %add3A_435, %sign3A_456 : i32
      %sign3A_458 = arith.extui %sign3A_457 : i1 to i32
      %sign3A_459 = arith.subi %sign3A_455, %sign3A_458 : i32
      %sign3A_460 = arith.constant 0 : i32
      %sign3A_461 = arith.cmpi sgt, %jit3A_451, %sign3A_460 : i32
      %sign3A_462 = arith.extui %sign3A_461 : i1 to i32
      %sign3A_463 = arith.constant 0 : i32
      %sign3A_464 = arith.cmpi slt, %jit3A_451, %sign3A_463 : i32
      %sign3A_465 = arith.extui %sign3A_464 : i1 to i32
      %sign3A_466 = arith.subi %sign3A_462, %sign3A_465 : i32
      %ne3A_467 = arith.cmpi ne, %sign3A_459, %sign3A_466 : i32
      %rem3A_468 = arith.remsi %add3A_435, %jit3A_451 : i32
      %ne3A_469 = arith.constant 0 : i32
      %ne3A_470 = arith.cmpi ne, %rem3A_468, %ne3A_469 : i32
      %and3A_471 = arith.andi %ne3A_467, %ne3A_470 : i1
      %sub3A_472 = arith.constant 1 : i32
      %sub3A_473 = arith.subi %div3A_452, %sub3A_472 : i32
      %select_n3A_474 = arith.select %and3A_471, %sub3A_473, %div3A_452 : i32
      %jit3A_475 = arith.constant 4 : i32
      %eq3A_476 = arith.constant 0 : i32
      %eq3A_477 = arith.cmpi eq, %jit3A_475, %eq3A_476 : i32
      %jit3A_478 = arith.constant 1 : i32
      %select_n3A_479 = arith.select %eq3A_477, %jit3A_478, %jit3A_475 : i32
      %rem3A_480 = arith.remsi %add3A_435, %select_n3A_479 : i32
      %ne3A_481 = arith.constant 0 : i32
      %ne3A_482 = arith.cmpi ne, %rem3A_480, %ne3A_481 : i32
      %lt3A_483 = arith.constant 0 : i32
      %lt3A_484 = arith.cmpi slt, %rem3A_480, %lt3A_483 : i32
      %lt3A_485 = arith.constant 0 : i32
      %lt3A_486 = arith.cmpi slt, %select_n3A_479, %lt3A_485 : i32
      %ne3A_487 = arith.xori %lt3A_484, %lt3A_486 : i1
      %and3A_488 = arith.andi %ne3A_487, %ne3A_482 : i1
      %add3A_489 = arith.addi %rem3A_480, %select_n3A_479 : i32
      %select_n3A_490 = arith.select %and3A_488, %add3A_489, %rem3A_480 : i32
      %mul3A_491 = arith.constant 128 : i32
      %mul3A_492 = arith.muli %select_n3A_490, %mul3A_491 : i32
      %add3A_493 = arith.addi %mul3A_2, %mul3A_492 : i32
      %dma_start3A_494 = arith.constant 1 : i32
      %dma_start3A_495 = arith.constant 1 : i32
      %dma_start3A_496 = arith.constant 0 : i32
      %dma_start3A_497 = arith.constant 0 : i32
      %dma_start3A_498 = tpu.memref_slice %arg6[%dma_start3A_494, %dma_start3A_496, %dma_start3A_497] : memref<4x128x128xf32, #tpu.memory_space<vmem>> -> memref<1x128x128xf32, #tpu.memory_space<vmem>>
      %dma_start3A_499 = tpu.memref_squeeze %dma_start3A_498 : memref<1x128x128xf32, #tpu.memory_space<vmem>> -> memref<128x128xf32, #tpu.memory_space<vmem>>
      %dma_start3A_500 = arith.constant 0 : i32
      %dma_start3A_501 = tpu.memref_slice %arg4[%add3A_493, %select_n3A_474, %dma_start3A_500] : memref<16384x26x128xf32, #tpu.memory_space<hbm>> -> memref<128x1x128xf32, #tpu.memory_space<hbm>>
      %dma_start3A_502 = tpu.memref_squeeze %dma_start3A_501 : memref<128x1x128xf32, #tpu.memory_space<hbm>> -> memref<128x128xf32, #tpu.memory_space<hbm>>
      %dma_start3A_503 = tpu.memref_slice %arg8[%dma_start3A_495] : memref<4x!tpu.dma_semaphore, #tpu.memory_space<semaphore_mem>> -> memref<1x!tpu.dma_semaphore, #tpu.memory_space<semaphore_mem>>
      %dma_start3A_504 = tpu.memref_squeeze %dma_start3A_503 : memref<1x!tpu.dma_semaphore, #tpu.memory_space<semaphore_mem>> -> memref<!tpu.dma_semaphore, #tpu.memory_space<semaphore_mem>>
      %dma_start3A_505 = arith.constant 0 : i32
      %dma_start3A_506 = tpu.memref_slice %arg4[%add3A_493, %select_n3A_474, %dma_start3A_505] : memref<16384x26x128xf32, #tpu.memory_space<hbm>> -> memref<128x1x128xf32, #tpu.memory_space<hbm>>
      %dma_start3A_507 = tpu.memref_squeeze %dma_start3A_506 : memref<128x1x128xf32, #tpu.memory_space<hbm>> -> memref<128x128xf32, #tpu.memory_space<hbm>>
      %dma_start3A_508 = arith.constant 0 : i32
      %dma_start3A_509 = arith.constant 0 : i32
      %dma_start3A_510 = tpu.memref_slice %arg6[%dma_start3A_494, %dma_start3A_508, %dma_start3A_509] : memref<4x128x128xf32, #tpu.memory_space<vmem>> -> memref<1x128x128xf32, #tpu.memory_space<vmem>>
      %dma_start3A_511 = tpu.memref_squeeze %dma_start3A_510 : memref<1x128x128xf32, #tpu.memory_space<vmem>> -> memref<128x128xf32, #tpu.memory_space<vmem>>
      tpu.enqueue_dma source(%dma_start3A_511 : memref<128x128xf32, #tpu.memory_space<vmem>>) target(%dma_start3A_507 : memref<128x128xf32, #tpu.memory_space<hbm>>) target_semaphore(%dma_start3A_504 : memref<!tpu.dma_semaphore, #tpu.memory_space<semaphore_mem>>)
      %dma_wait3A_512 = arith.constant 1 : i32
      %dma_wait3A_513 = arith.constant 0 : i32
      %dma_wait3A_514 = arith.constant 1 : i32
      %dma_wait3A_515 = arith.constant 0 : i32
      %dma_wait3A_516 = arith.constant 0 : i32
      %dma_wait3A_517 = tpu.memref_slice %arg6[%dma_wait3A_512, %dma_wait3A_515, %dma_wait3A_516] : memref<4x128x128xf32, #tpu.memory_space<vmem>> -> memref<1x128x128xf32, #tpu.memory_space<vmem>>
      %dma_wait3A_518 = tpu.memref_squeeze %dma_wait3A_517 : memref<1x128x128xf32, #tpu.memory_space<vmem>> -> memref<128x128xf32, #tpu.memory_space<vmem>>
      %dma_wait3A_519 = arith.constant 0 : i32
      %dma_wait3A_520 = tpu.memref_slice %arg4[%mul3A_2, %dma_wait3A_513, %dma_wait3A_519] : memref<16384x26x128xf32, #tpu.memory_space<hbm>> -> memref<128x1x128xf32, #tpu.memory_space<hbm>>
      %dma_wait3A_521 = tpu.memref_squeeze %dma_wait3A_520 : memref<128x1x128xf32, #tpu.memory_space<hbm>> -> memref<128x128xf32, #tpu.memory_space<hbm>>
      %dma_wait3A_522 = tpu.memref_slice %arg8[%dma_wait3A_514] : memref<4x!tpu.dma_semaphore, #tpu.memory_space<semaphore_mem>> -> memref<1x!tpu.dma_semaphore, #tpu.memory_space<semaphore_mem>>
      %dma_wait3A_523 = tpu.memref_squeeze %dma_wait3A_522 : memref<1x!tpu.dma_semaphore, #tpu.memory_space<semaphore_mem>> -> memref<!tpu.dma_semaphore, #tpu.memory_space<semaphore_mem>>
      %dma_wait3A_524 = arith.constant 0 : i32
      %dma_wait3A_525 = tpu.memref_slice %arg4[%mul3A_2, %dma_wait3A_513, %dma_wait3A_524] : memref<16384x26x128xf32, #tpu.memory_space<hbm>> -> memref<128x1x128xf32, #tpu.memory_space<hbm>>
      %dma_wait3A_526 = tpu.memref_squeeze %dma_wait3A_525 : memref<128x1x128xf32, #tpu.memory_space<hbm>> -> memref<128x128xf32, #tpu.memory_space<hbm>>
      %dma_wait3A_527 = arith.constant 0 : i32
      %dma_wait3A_528 = arith.constant 0 : i32
      %dma_wait3A_529 = tpu.memref_slice %arg6[%dma_wait3A_512, %dma_wait3A_527, %dma_wait3A_528] : memref<4x128x128xf32, #tpu.memory_space<vmem>> -> memref<1x128x128xf32, #tpu.memory_space<vmem>>
      %dma_wait3A_530 = tpu.memref_squeeze %dma_wait3A_529 : memref<1x128x128xf32, #tpu.memory_space<vmem>> -> memref<128x128xf32, #tpu.memory_space<vmem>>
      tpu.wait_dma2 semaphore(%dma_wait3A_523 : memref<!tpu.dma_semaphore, #tpu.memory_space<semaphore_mem>>) src(%dma_wait3A_530 : memref<128x128xf32, #tpu.memory_space<vmem>>) dst(%dma_wait3A_526 : memref<128x128xf32, #tpu.memory_space<hbm>>)
      %add3A_531 = arith.constant 4 : i32
      %add3A_532 = arith.addi %add3A_435, %add3A_531 : i32
      %jit3A_533 = arith.constant 4 : i32
      %div3A_534 = arith.divsi %add3A_532, %jit3A_533 : i32
      %sign3A_535 = arith.constant 0 : i32
      %sign3A_536 = arith.cmpi sgt, %add3A_532, %sign3A_535 : i32
      %sign3A_537 = arith.extui %sign3A_536 : i1 to i32
      %sign3A_538 = arith.constant 0 : i32
      %sign3A_539 = arith.cmpi slt, %add3A_532, %sign3A_538 : i32
      %sign3A_540 = arith.extui %sign3A_539 : i1 to i32
      %sign3A_541 = arith.subi %sign3A_537, %sign3A_540 : i32
      %sign3A_542 = arith.constant 0 : i32
      %sign3A_543 = arith.cmpi sgt, %jit3A_533, %sign3A_542 : i32
      %sign3A_544 = arith.extui %sign3A_543 : i1 to i32
      %sign3A_545 = arith.constant 0 : i32
      %sign3A_546 = arith.cmpi slt, %jit3A_533, %sign3A_545 : i32
      %sign3A_547 = arith.extui %sign3A_546 : i1 to i32
      %sign3A_548 = arith.subi %sign3A_544, %sign3A_547 : i32
      %ne3A_549 = arith.cmpi ne, %sign3A_541, %sign3A_548 : i32
      %rem3A_550 = arith.remsi %add3A_532, %jit3A_533 : i32
      %ne3A_551 = arith.constant 0 : i32
      %ne3A_552 = arith.cmpi ne, %rem3A_550, %ne3A_551 : i32
      %and3A_553 = arith.andi %ne3A_549, %ne3A_552 : i1
      %sub3A_554 = arith.constant 1 : i32
      %sub3A_555 = arith.subi %div3A_534, %sub3A_554 : i32
      %select_n3A_556 = arith.select %and3A_553, %sub3A_555, %div3A_534 : i32
      %jit3A_557 = arith.constant 4 : i32
      %eq3A_558 = arith.constant 0 : i32
      %eq3A_559 = arith.cmpi eq, %jit3A_557, %eq3A_558 : i32
      %jit3A_560 = arith.constant 1 : i32
      %select_n3A_561 = arith.select %eq3A_559, %jit3A_560, %jit3A_557 : i32
      %rem3A_562 = arith.remsi %add3A_532, %select_n3A_561 : i32
      %ne3A_563 = arith.constant 0 : i32
      %ne3A_564 = arith.cmpi ne, %rem3A_562, %ne3A_563 : i32
      %lt3A_565 = arith.constant 0 : i32
      %lt3A_566 = arith.cmpi slt, %rem3A_562, %lt3A_565 : i32
      %lt3A_567 = arith.constant 0 : i32
      %lt3A_568 = arith.cmpi slt, %select_n3A_561, %lt3A_567 : i32
      %ne3A_569 = arith.xori %lt3A_566, %lt3A_568 : i1
      %and3A_570 = arith.andi %ne3A_569, %ne3A_564 : i1
      %add3A_571 = arith.addi %rem3A_562, %select_n3A_561 : i32
      %select_n3A_572 = arith.select %and3A_570, %add3A_571, %rem3A_562 : i32
      %mul3A_573 = arith.constant 128 : i32
      %mul3A_574 = arith.muli %select_n3A_572, %mul3A_573 : i32
      %dma_start3A_575 = arith.constant 1 : i32
      %dma_start3A_576 = arith.constant 1 : i32
      %dma_start3A_577 = arith.constant 0 : i32
      %dma_start3A_578 = arith.constant 0 : i32
      %dma_start3A_579 = tpu.memref_slice %arg6[%dma_start3A_575, %dma_start3A_577, %dma_start3A_578] : memref<4x128x128xf32, #tpu.memory_space<vmem>> -> memref<1x128x128xf32, #tpu.memory_space<vmem>>
      %dma_start3A_580 = tpu.memref_squeeze %dma_start3A_579 : memref<1x128x128xf32, #tpu.memory_space<vmem>> -> memref<128x128xf32, #tpu.memory_space<vmem>>
      %dma_start3A_581 = tpu.memref_slice %arg5[%select_n3A_556, %mul3A_574] : memref<26x512xi32, #tpu.memory_space<vmem>> -> memref<1x128xi32, #tpu.memory_space<vmem>>
      %dma_start3A_582 = tpu.memref_squeeze %dma_start3A_581 : memref<1x128xi32, #tpu.memory_space<vmem>> -> memref<128xi32, #tpu.memory_space<vmem>>
      %dma_start3A_583 = arith.constant 0 : i32
      %dma_start3A_584 = arith.constant 0 : i32
      %dma_start3A_585 = tpu.memref_slice %arg2[%dma_start3A_583, %dma_start3A_584] : memref<1000000x128xf32, #tpu.memory_space<hbm>> -> memref<1000000x128xf32, #tpu.memory_space<hbm>>
      %dma_start3A_586 = tpu.memref_slice %arg7[%dma_start3A_576] : memref<4x!tpu.dma_semaphore, #tpu.memory_space<semaphore_mem>> -> memref<1x!tpu.dma_semaphore, #tpu.memory_space<semaphore_mem>>
      %dma_start3A_587 = tpu.memref_squeeze %dma_start3A_586 : memref<1x!tpu.dma_semaphore, #tpu.memory_space<semaphore_mem>> -> memref<!tpu.dma_semaphore, #tpu.memory_space<semaphore_mem>>
      tpu.enqueue_indirect_dma source(%dma_start3A_585 : memref<1000000x128xf32, #tpu.memory_space<hbm>>) target(%dma_start3A_580 : memref<128x128xf32, #tpu.memory_space<vmem>>) offsets(%dma_start3A_582 : memref<128xi32, #tpu.memory_space<vmem>>) semaphore(%dma_start3A_587 : memref<!tpu.dma_semaphore, #tpu.memory_space<semaphore_mem>>)
      %add3A_588 = arith.constant 2 : i32
      %add3A_589 = arith.addi %add3A_289, %add3A_588 : i32
      %dma_wait3A_590 = arith.constant 0 : i32
      %dma_wait3A_591 = arith.constant 2 : i32
      %dma_wait3A_592 = arith.constant 2 : i32
      %dma_wait3A_593 = arith.constant 0 : i32
      %dma_wait3A_594 = arith.constant 0 : i32
      %dma_wait3A_595 = tpu.memref_slice %arg6[%dma_wait3A_591, %dma_wait3A_593, %dma_wait3A_594] : memref<4x128x128xf32, #tpu.memory_space<vmem>> -> memref<1x128x128xf32, #tpu.memory_space<vmem>>
      %dma_wait3A_596 = tpu.memref_squeeze %dma_wait3A_595 : memref<1x128x128xf32, #tpu.memory_space<vmem>> -> memref<128x128xf32, #tpu.memory_space<vmem>>
      %dma_wait3A_597 = arith.constant 0 : i32
      %dma_wait3A_598 = tpu.memref_slice %arg5[%dma_wait3A_590, %dma_wait3A_597] : memref<26x512xi32, #tpu.memory_space<vmem>> -> memref<1x128xi32, #tpu.memory_space<vmem>>
      %dma_wait3A_599 = tpu.memref_squeeze %dma_wait3A_598 : memref<1x128xi32, #tpu.memory_space<vmem>> -> memref<128xi32, #tpu.memory_space<vmem>>
      %dma_wait3A_600 = arith.constant 0 : i32
      %dma_wait3A_601 = arith.constant 0 : i32
      %dma_wait3A_602 = tpu.memref_slice %arg2[%dma_wait3A_600, %dma_wait3A_601] : memref<1000000x128xf32, #tpu.memory_space<hbm>> -> memref<1000000x128xf32, #tpu.memory_space<hbm>>
      %dma_wait3A_603 = tpu.memref_slice %arg7[%dma_wait3A_592] : memref<4x!tpu.dma_semaphore, #tpu.memory_space<semaphore_mem>> -> memref<1x!tpu.dma_semaphore, #tpu.memory_space<semaphore_mem>>
      %dma_wait3A_604 = tpu.memref_squeeze %dma_wait3A_603 : memref<1x!tpu.dma_semaphore, #tpu.memory_space<semaphore_mem>> -> memref<!tpu.dma_semaphore, #tpu.memory_space<semaphore_mem>>
      tpu.wait_indirect_dma semaphore(%dma_wait3A_604 : memref<!tpu.dma_semaphore, #tpu.memory_space<semaphore_mem>>) src(%dma_wait3A_602 : memref<1000000x128xf32, #tpu.memory_space<hbm>>) dst(%dma_wait3A_596 : memref<128x128xf32, #tpu.memory_space<vmem>>)
      %jit3A_605 = arith.constant 4 : i32
      %div3A_606 = arith.divsi %add3A_589, %jit3A_605 : i32
      %sign3A_607 = arith.constant 0 : i32
      %sign3A_608 = arith.cmpi sgt, %add3A_589, %sign3A_607 : i32
      %sign3A_609 = arith.extui %sign3A_608 : i1 to i32
      %sign3A_610 = arith.constant 0 : i32
      %sign3A_611 = arith.cmpi slt, %add3A_589, %sign3A_610 : i32
      %sign3A_612 = arith.extui %sign3A_611 : i1 to i32
      %sign3A_613 = arith.subi %sign3A_609, %sign3A_612 : i32
      %sign3A_614 = arith.constant 0 : i32
      %sign3A_615 = arith.cmpi sgt, %jit3A_605, %sign3A_614 : i32
      %sign3A_616 = arith.extui %sign3A_615 : i1 to i32
      %sign3A_617 = arith.constant 0 : i32
      %sign3A_618 = arith.cmpi slt, %jit3A_605, %sign3A_617 : i32
      %sign3A_619 = arith.extui %sign3A_618 : i1 to i32
      %sign3A_620 = arith.subi %sign3A_616, %sign3A_619 : i32
      %ne3A_621 = arith.cmpi ne, %sign3A_613, %sign3A_620 : i32
      %rem3A_622 = arith.remsi %add3A_589, %jit3A_605 : i32
      %ne3A_623 = arith.constant 0 : i32
      %ne3A_624 = arith.cmpi ne, %rem3A_622, %ne3A_623 : i32
      %and3A_625 = arith.andi %ne3A_621, %ne3A_624 : i1
      %sub3A_626 = arith.constant 1 : i32
      %sub3A_627 = arith.subi %div3A_606, %sub3A_626 : i32
      %select_n3A_628 = arith.select %and3A_625, %sub3A_627, %div3A_606 : i32
      %jit3A_629 = arith.constant 4 : i32
      %eq3A_630 = arith.constant 0 : i32
      %eq3A_631 = arith.cmpi eq, %jit3A_629, %eq3A_630 : i32
      %jit3A_632 = arith.constant 1 : i32
      %select_n3A_633 = arith.select %eq3A_631, %jit3A_632, %jit3A_629 : i32
      %rem3A_634 = arith.remsi %add3A_589, %select_n3A_633 : i32
      %ne3A_635 = arith.constant 0 : i32
      %ne3A_636 = arith.cmpi ne, %rem3A_634, %ne3A_635 : i32
      %lt3A_637 = arith.constant 0 : i32
      %lt3A_638 = arith.cmpi slt, %rem3A_634, %lt3A_637 : i32
      %lt3A_639 = arith.constant 0 : i32
      %lt3A_640 = arith.cmpi slt, %select_n3A_633, %lt3A_639 : i32
      %ne3A_641 = arith.xori %lt3A_638, %lt3A_640 : i1
      %and3A_642 = arith.andi %ne3A_641, %ne3A_636 : i1
      %add3A_643 = arith.addi %rem3A_634, %select_n3A_633 : i32
      %select_n3A_644 = arith.select %and3A_642, %add3A_643, %rem3A_634 : i32
      %mul3A_645 = arith.constant 128 : i32
      %mul3A_646 = arith.muli %select_n3A_644, %mul3A_645 : i32
      %add3A_647 = arith.addi %mul3A_2, %mul3A_646 : i32
      %dma_start3A_648 = arith.constant 2 : i32
      %dma_start3A_649 = arith.constant 2 : i32
      %dma_start3A_650 = arith.constant 0 : i32
      %dma_start3A_651 = arith.constant 0 : i32
      %dma_start3A_652 = tpu.memref_slice %arg6[%dma_start3A_648, %dma_start3A_650, %dma_start3A_651] : memref<4x128x128xf32, #tpu.memory_space<vmem>> -> memref<1x128x128xf32, #tpu.memory_space<vmem>>
      %dma_start3A_653 = tpu.memref_squeeze %dma_start3A_652 : memref<1x128x128xf32, #tpu.memory_space<vmem>> -> memref<128x128xf32, #tpu.memory_space<vmem>>
      %dma_start3A_654 = arith.constant 0 : i32
      %dma_start3A_655 = tpu.memref_slice %arg4[%add3A_647, %select_n3A_628, %dma_start3A_654] : memref<16384x26x128xf32, #tpu.memory_space<hbm>> -> memref<128x1x128xf32, #tpu.memory_space<hbm>>
      %dma_start3A_656 = tpu.memref_squeeze %dma_start3A_655 : memref<128x1x128xf32, #tpu.memory_space<hbm>> -> memref<128x128xf32, #tpu.memory_space<hbm>>
      %dma_start3A_657 = tpu.memref_slice %arg8[%dma_start3A_649] : memref<4x!tpu.dma_semaphore, #tpu.memory_space<semaphore_mem>> -> memref<1x!tpu.dma_semaphore, #tpu.memory_space<semaphore_mem>>
      %dma_start3A_658 = tpu.memref_squeeze %dma_start3A_657 : memref<1x!tpu.dma_semaphore, #tpu.memory_space<semaphore_mem>> -> memref<!tpu.dma_semaphore, #tpu.memory_space<semaphore_mem>>
      %dma_start3A_659 = arith.constant 0 : i32
      %dma_start3A_660 = tpu.memref_slice %arg4[%add3A_647, %select_n3A_628, %dma_start3A_659] : memref<16384x26x128xf32, #tpu.memory_space<hbm>> -> memref<128x1x128xf32, #tpu.memory_space<hbm>>
      %dma_start3A_661 = tpu.memref_squeeze %dma_start3A_660 : memref<128x1x128xf32, #tpu.memory_space<hbm>> -> memref<128x128xf32, #tpu.memory_space<hbm>>
      %dma_start3A_662 = arith.constant 0 : i32
      %dma_start3A_663 = arith.constant 0 : i32
      %dma_start3A_664 = tpu.memref_slice %arg6[%dma_start3A_648, %dma_start3A_662, %dma_start3A_663] : memref<4x128x128xf32, #tpu.memory_space<vmem>> -> memref<1x128x128xf32, #tpu.memory_space<vmem>>
      %dma_start3A_665 = tpu.memref_squeeze %dma_start3A_664 : memref<1x128x128xf32, #tpu.memory_space<vmem>> -> memref<128x128xf32, #tpu.memory_space<vmem>>
      tpu.enqueue_dma source(%dma_start3A_665 : memref<128x128xf32, #tpu.memory_space<vmem>>) target(%dma_start3A_661 : memref<128x128xf32, #tpu.memory_space<hbm>>) target_semaphore(%dma_start3A_658 : memref<!tpu.dma_semaphore, #tpu.memory_space<semaphore_mem>>)
      %dma_wait3A_666 = arith.constant 2 : i32
      %dma_wait3A_667 = arith.constant 0 : i32
      %dma_wait3A_668 = arith.constant 2 : i32
      %dma_wait3A_669 = arith.constant 0 : i32
      %dma_wait3A_670 = arith.constant 0 : i32
      %dma_wait3A_671 = tpu.memref_slice %arg6[%dma_wait3A_666, %dma_wait3A_669, %dma_wait3A_670] : memref<4x128x128xf32, #tpu.memory_space<vmem>> -> memref<1x128x128xf32, #tpu.memory_space<vmem>>
      %dma_wait3A_672 = tpu.memref_squeeze %dma_wait3A_671 : memref<1x128x128xf32, #tpu.memory_space<vmem>> -> memref<128x128xf32, #tpu.memory_space<vmem>>
      %dma_wait3A_673 = arith.constant 0 : i32
      %dma_wait3A_674 = tpu.memref_slice %arg4[%mul3A_2, %dma_wait3A_667, %dma_wait3A_673] : memref<16384x26x128xf32, #tpu.memory_space<hbm>> -> memref<128x1x128xf32, #tpu.memory_space<hbm>>
      %dma_wait3A_675 = tpu.memref_squeeze %dma_wait3A_674 : memref<128x1x128xf32, #tpu.memory_space<hbm>> -> memref<128x128xf32, #tpu.memory_space<hbm>>
      %dma_wait3A_676 = tpu.memref_slice %arg8[%dma_wait3A_668] : memref<4x!tpu.dma_semaphore, #tpu.memory_space<semaphore_mem>> -> memref<1x!tpu.dma_semaphore, #tpu.memory_space<semaphore_mem>>
      %dma_wait3A_677 = tpu.memref_squeeze %dma_wait3A_676 : memref<1x!tpu.dma_semaphore, #tpu.memory_space<semaphore_mem>> -> memref<!tpu.dma_semaphore, #tpu.memory_space<semaphore_mem>>
      %dma_wait3A_678 = arith.constant 0 : i32
      %dma_wait3A_679 = tpu.memref_slice %arg4[%mul3A_2, %dma_wait3A_667, %dma_wait3A_678] : memref<16384x26x128xf32, #tpu.memory_space<hbm>> -> memref<128x1x128xf32, #tpu.memory_space<hbm>>
      %dma_wait3A_680 = tpu.memref_squeeze %dma_wait3A_679 : memref<128x1x128xf32, #tpu.memory_space<hbm>> -> memref<128x128xf32, #tpu.memory_space<hbm>>
      %dma_wait3A_681 = arith.constant 0 : i32
      %dma_wait3A_682 = arith.constant 0 : i32
      %dma_wait3A_683 = tpu.memref_slice %arg6[%dma_wait3A_666, %dma_wait3A_681, %dma_wait3A_682] : memref<4x128x128xf32, #tpu.memory_space<vmem>> -> memref<1x128x128xf32, #tpu.memory_space<vmem>>
      %dma_wait3A_684 = tpu.memref_squeeze %dma_wait3A_683 : memref<1x128x128xf32, #tpu.memory_space<vmem>> -> memref<128x128xf32, #tpu.memory_space<vmem>>
      tpu.wait_dma2 semaphore(%dma_wait3A_677 : memref<!tpu.dma_semaphore, #tpu.memory_space<semaphore_mem>>) src(%dma_wait3A_684 : memref<128x128xf32, #tpu.memory_space<vmem>>) dst(%dma_wait3A_680 : memref<128x128xf32, #tpu.memory_space<hbm>>)
      %add3A_685 = arith.constant 4 : i32
      %add3A_686 = arith.addi %add3A_589, %add3A_685 : i32
      %jit3A_687 = arith.constant 4 : i32
      %div3A_688 = arith.divsi %add3A_686, %jit3A_687 : i32
      %sign3A_689 = arith.constant 0 : i32
      %sign3A_690 = arith.cmpi sgt, %add3A_686, %sign3A_689 : i32
      %sign3A_691 = arith.extui %sign3A_690 : i1 to i32
      %sign3A_692 = arith.constant 0 : i32
      %sign3A_693 = arith.cmpi slt, %add3A_686, %sign3A_692 : i32
      %sign3A_694 = arith.extui %sign3A_693 : i1 to i32
      %sign3A_695 = arith.subi %sign3A_691, %sign3A_694 : i32
      %sign3A_696 = arith.constant 0 : i32
      %sign3A_697 = arith.cmpi sgt, %jit3A_687, %sign3A_696 : i32
      %sign3A_698 = arith.extui %sign3A_697 : i1 to i32
      %sign3A_699 = arith.constant 0 : i32
      %sign3A_700 = arith.cmpi slt, %jit3A_687, %sign3A_699 : i32
      %sign3A_701 = arith.extui %sign3A_700 : i1 to i32
      %sign3A_702 = arith.subi %sign3A_698, %sign3A_701 : i32
      %ne3A_703 = arith.cmpi ne, %sign3A_695, %sign3A_702 : i32
      %rem3A_704 = arith.remsi %add3A_686, %jit3A_687 : i32
      %ne3A_705 = arith.constant 0 : i32
      %ne3A_706 = arith.cmpi ne, %rem3A_704, %ne3A_705 : i32
      %and3A_707 = arith.andi %ne3A_703, %ne3A_706 : i1
      %sub3A_708 = arith.constant 1 : i32
      %sub3A_709 = arith.subi %div3A_688, %sub3A_708 : i32
      %select_n3A_710 = arith.select %and3A_707, %sub3A_709, %div3A_688 : i32
      %jit3A_711 = arith.constant 4 : i32
      %eq3A_712 = arith.constant 0 : i32
      %eq3A_713 = arith.cmpi eq, %jit3A_711, %eq3A_712 : i32
      %jit3A_714 = arith.constant 1 : i32
      %select_n3A_715 = arith.select %eq3A_713, %jit3A_714, %jit3A_711 : i32
      %rem3A_716 = arith.remsi %add3A_686, %select_n3A_715 : i32
      %ne3A_717 = arith.constant 0 : i32
      %ne3A_718 = arith.cmpi ne, %rem3A_716, %ne3A_717 : i32
      %lt3A_719 = arith.constant 0 : i32
      %lt3A_720 = arith.cmpi slt, %rem3A_716, %lt3A_719 : i32
      %lt3A_721 = arith.constant 0 : i32
      %lt3A_722 = arith.cmpi slt, %select_n3A_715, %lt3A_721 : i32
      %ne3A_723 = arith.xori %lt3A_720, %lt3A_722 : i1
      %and3A_724 = arith.andi %ne3A_723, %ne3A_718 : i1
      %add3A_725 = arith.addi %rem3A_716, %select_n3A_715 : i32
      %select_n3A_726 = arith.select %and3A_724, %add3A_725, %rem3A_716 : i32
      %mul3A_727 = arith.constant 128 : i32
      %mul3A_728 = arith.muli %select_n3A_726, %mul3A_727 : i32
      %dma_start3A_729 = arith.constant 2 : i32
      %dma_start3A_730 = arith.constant 2 : i32
      %dma_start3A_731 = arith.constant 0 : i32
      %dma_start3A_732 = arith.constant 0 : i32
      %dma_start3A_733 = tpu.memref_slice %arg6[%dma_start3A_729, %dma_start3A_731, %dma_start3A_732] : memref<4x128x128xf32, #tpu.memory_space<vmem>> -> memref<1x128x128xf32, #tpu.memory_space<vmem>>
      %dma_start3A_734 = tpu.memref_squeeze %dma_start3A_733 : memref<1x128x128xf32, #tpu.memory_space<vmem>> -> memref<128x128xf32, #tpu.memory_space<vmem>>
      %dma_start3A_735 = tpu.memref_slice %arg5[%select_n3A_710, %mul3A_728] : memref<26x512xi32, #tpu.memory_space<vmem>> -> memref<1x128xi32, #tpu.memory_space<vmem>>
      %dma_start3A_736 = tpu.memref_squeeze %dma_start3A_735 : memref<1x128xi32, #tpu.memory_space<vmem>> -> memref<128xi32, #tpu.memory_space<vmem>>
      %dma_start3A_737 = arith.constant 0 : i32
      %dma_start3A_738 = arith.constant 0 : i32
      %dma_start3A_739 = tpu.memref_slice %arg2[%dma_start3A_737, %dma_start3A_738] : memref<1000000x128xf32, #tpu.memory_space<hbm>> -> memref<1000000x128xf32, #tpu.memory_space<hbm>>
      %dma_start3A_740 = tpu.memref_slice %arg7[%dma_start3A_730] : memref<4x!tpu.dma_semaphore, #tpu.memory_space<semaphore_mem>> -> memref<1x!tpu.dma_semaphore, #tpu.memory_space<semaphore_mem>>
      %dma_start3A_741 = tpu.memref_squeeze %dma_start3A_740 : memref<1x!tpu.dma_semaphore, #tpu.memory_space<semaphore_mem>> -> memref<!tpu.dma_semaphore, #tpu.memory_space<semaphore_mem>>
      tpu.enqueue_indirect_dma source(%dma_start3A_739 : memref<1000000x128xf32, #tpu.memory_space<hbm>>) target(%dma_start3A_734 : memref<128x128xf32, #tpu.memory_space<vmem>>) offsets(%dma_start3A_736 : memref<128xi32, #tpu.memory_space<vmem>>) semaphore(%dma_start3A_741 : memref<!tpu.dma_semaphore, #tpu.memory_space<semaphore_mem>>)
      %add3A_742 = arith.constant 3 : i32
      %add3A_743 = arith.addi %add3A_289, %add3A_742 : i32
      %dma_wait3A_744 = arith.constant 0 : i32
      %dma_wait3A_745 = arith.constant 3 : i32
      %dma_wait3A_746 = arith.constant 3 : i32
      %dma_wait3A_747 = arith.constant 0 : i32
      %dma_wait3A_748 = arith.constant 0 : i32
      %dma_wait3A_749 = tpu.memref_slice %arg6[%dma_wait3A_745, %dma_wait3A_747, %dma_wait3A_748] : memref<4x128x128xf32, #tpu.memory_space<vmem>> -> memref<1x128x128xf32, #tpu.memory_space<vmem>>
      %dma_wait3A_750 = tpu.memref_squeeze %dma_wait3A_749 : memref<1x128x128xf32, #tpu.memory_space<vmem>> -> memref<128x128xf32, #tpu.memory_space<vmem>>
      %dma_wait3A_751 = arith.constant 0 : i32
      %dma_wait3A_752 = tpu.memref_slice %arg5[%dma_wait3A_744, %dma_wait3A_751] : memref<26x512xi32, #tpu.memory_space<vmem>> -> memref<1x128xi32, #tpu.memory_space<vmem>>
      %dma_wait3A_753 = tpu.memref_squeeze %dma_wait3A_752 : memref<1x128xi32, #tpu.memory_space<vmem>> -> memref<128xi32, #tpu.memory_space<vmem>>
      %dma_wait3A_754 = arith.constant 0 : i32
      %dma_wait3A_755 = arith.constant 0 : i32
      %dma_wait3A_756 = tpu.memref_slice %arg2[%dma_wait3A_754, %dma_wait3A_755] : memref<1000000x128xf32, #tpu.memory_space<hbm>> -> memref<1000000x128xf32, #tpu.memory_space<hbm>>
      %dma_wait3A_757 = tpu.memref_slice %arg7[%dma_wait3A_746] : memref<4x!tpu.dma_semaphore, #tpu.memory_space<semaphore_mem>> -> memref<1x!tpu.dma_semaphore, #tpu.memory_space<semaphore_mem>>
      %dma_wait3A_758 = tpu.memref_squeeze %dma_wait3A_757 : memref<1x!tpu.dma_semaphore, #tpu.memory_space<semaphore_mem>> -> memref<!tpu.dma_semaphore, #tpu.memory_space<semaphore_mem>>
      tpu.wait_indirect_dma semaphore(%dma_wait3A_758 : memref<!tpu.dma_semaphore, #tpu.memory_space<semaphore_mem>>) src(%dma_wait3A_756 : memref<1000000x128xf32, #tpu.memory_space<hbm>>) dst(%dma_wait3A_750 : memref<128x128xf32, #tpu.memory_space<vmem>>)
      %jit3A_759 = arith.constant 4 : i32
      %div3A_760 = arith.divsi %add3A_743, %jit3A_759 : i32
      %sign3A_761 = arith.constant 0 : i32
      %sign3A_762 = arith.cmpi sgt, %add3A_743, %sign3A_761 : i32
      %sign3A_763 = arith.extui %sign3A_762 : i1 to i32
      %sign3A_764 = arith.constant 0 : i32
      %sign3A_765 = arith.cmpi slt, %add3A_743, %sign3A_764 : i32
      %sign3A_766 = arith.extui %sign3A_765 : i1 to i32
      %sign3A_767 = arith.subi %sign3A_763, %sign3A_766 : i32
      %sign3A_768 = arith.constant 0 : i32
      %sign3A_769 = arith.cmpi sgt, %jit3A_759, %sign3A_768 : i32
      %sign3A_770 = arith.extui %sign3A_769 : i1 to i32
      %sign3A_771 = arith.constant 0 : i32
      %sign3A_772 = arith.cmpi slt, %jit3A_759, %sign3A_771 : i32
      %sign3A_773 = arith.extui %sign3A_772 : i1 to i32
      %sign3A_774 = arith.subi %sign3A_770, %sign3A_773 : i32
      %ne3A_775 = arith.cmpi ne, %sign3A_767, %sign3A_774 : i32
      %rem3A_776 = arith.remsi %add3A_743, %jit3A_759 : i32
      %ne3A_777 = arith.constant 0 : i32
      %ne3A_778 = arith.cmpi ne, %rem3A_776, %ne3A_777 : i32
      %and3A_779 = arith.andi %ne3A_775, %ne3A_778 : i1
      %sub3A_780 = arith.constant 1 : i32
      %sub3A_781 = arith.subi %div3A_760, %sub3A_780 : i32
      %select_n3A_782 = arith.select %and3A_779, %sub3A_781, %div3A_760 : i32
      %jit3A_783 = arith.constant 4 : i32
      %eq3A_784 = arith.constant 0 : i32
      %eq3A_785 = arith.cmpi eq, %jit3A_783, %eq3A_784 : i32
      %jit3A_786 = arith.constant 1 : i32
      %select_n3A_787 = arith.select %eq3A_785, %jit3A_786, %jit3A_783 : i32
      %rem3A_788 = arith.remsi %add3A_743, %select_n3A_787 : i32
      %ne3A_789 = arith.constant 0 : i32
      %ne3A_790 = arith.cmpi ne, %rem3A_788, %ne3A_789 : i32
      %lt3A_791 = arith.constant 0 : i32
      %lt3A_792 = arith.cmpi slt, %rem3A_788, %lt3A_791 : i32
      %lt3A_793 = arith.constant 0 : i32
      %lt3A_794 = arith.cmpi slt, %select_n3A_787, %lt3A_793 : i32
      %ne3A_795 = arith.xori %lt3A_792, %lt3A_794 : i1
      %and3A_796 = arith.andi %ne3A_795, %ne3A_790 : i1
      %add3A_797 = arith.addi %rem3A_788, %select_n3A_787 : i32
      %select_n3A_798 = arith.select %and3A_796, %add3A_797, %rem3A_788 : i32
      %mul3A_799 = arith.constant 128 : i32
      %mul3A_800 = arith.muli %select_n3A_798, %mul3A_799 : i32
      %add3A_801 = arith.addi %mul3A_2, %mul3A_800 : i32
      %dma_start3A_802 = arith.constant 3 : i32
      %dma_start3A_803 = arith.constant 3 : i32
      %dma_start3A_804 = arith.constant 0 : i32
      %dma_start3A_805 = arith.constant 0 : i32
      %dma_start3A_806 = tpu.memref_slice %arg6[%dma_start3A_802, %dma_start3A_804, %dma_start3A_805] : memref<4x128x128xf32, #tpu.memory_space<vmem>> -> memref<1x128x128xf32, #tpu.memory_space<vmem>>
      %dma_start3A_807 = tpu.memref_squeeze %dma_start3A_806 : memref<1x128x128xf32, #tpu.memory_space<vmem>> -> memref<128x128xf32, #tpu.memory_space<vmem>>
      %dma_start3A_808 = arith.constant 0 : i32
      %dma_start3A_809 = tpu.memref_slice %arg4[%add3A_801, %select_n3A_782, %dma_start3A_808] : memref<16384x26x128xf32, #tpu.memory_space<hbm>> -> memref<128x1x128xf32, #tpu.memory_space<hbm>>
      %dma_start3A_810 = tpu.memref_squeeze %dma_start3A_809 : memref<128x1x128xf32, #tpu.memory_space<hbm>> -> memref<128x128xf32, #tpu.memory_space<hbm>>
      %dma_start3A_811 = tpu.memref_slice %arg8[%dma_start3A_803] : memref<4x!tpu.dma_semaphore, #tpu.memory_space<semaphore_mem>> -> memref<1x!tpu.dma_semaphore, #tpu.memory_space<semaphore_mem>>
      %dma_start3A_812 = tpu.memref_squeeze %dma_start3A_811 : memref<1x!tpu.dma_semaphore, #tpu.memory_space<semaphore_mem>> -> memref<!tpu.dma_semaphore, #tpu.memory_space<semaphore_mem>>
      %dma_start3A_813 = arith.constant 0 : i32
      %dma_start3A_814 = tpu.memref_slice %arg4[%add3A_801, %select_n3A_782, %dma_start3A_813] : memref<16384x26x128xf32, #tpu.memory_space<hbm>> -> memref<128x1x128xf32, #tpu.memory_space<hbm>>
      %dma_start3A_815 = tpu.memref_squeeze %dma_start3A_814 : memref<128x1x128xf32, #tpu.memory_space<hbm>> -> memref<128x128xf32, #tpu.memory_space<hbm>>
      %dma_start3A_816 = arith.constant 0 : i32
      %dma_start3A_817 = arith.constant 0 : i32
      %dma_start3A_818 = tpu.memref_slice %arg6[%dma_start3A_802, %dma_start3A_816, %dma_start3A_817] : memref<4x128x128xf32, #tpu.memory_space<vmem>> -> memref<1x128x128xf32, #tpu.memory_space<vmem>>
      %dma_start3A_819 = tpu.memref_squeeze %dma_start3A_818 : memref<1x128x128xf32, #tpu.memory_space<vmem>> -> memref<128x128xf32, #tpu.memory_space<vmem>>
      tpu.enqueue_dma source(%dma_start3A_819 : memref<128x128xf32, #tpu.memory_space<vmem>>) target(%dma_start3A_815 : memref<128x128xf32, #tpu.memory_space<hbm>>) target_semaphore(%dma_start3A_812 : memref<!tpu.dma_semaphore, #tpu.memory_space<semaphore_mem>>)
      %dma_wait3A_820 = arith.constant 3 : i32
      %dma_wait3A_821 = arith.constant 0 : i32
      %dma_wait3A_822 = arith.constant 3 : i32
      %dma_wait3A_823 = arith.constant 0 : i32
      %dma_wait3A_824 = arith.constant 0 : i32
      %dma_wait3A_825 = tpu.memref_slice %arg6[%dma_wait3A_820, %dma_wait3A_823, %dma_wait3A_824] : memref<4x128x128xf32, #tpu.memory_space<vmem>> -> memref<1x128x128xf32, #tpu.memory_space<vmem>>
      %dma_wait3A_826 = tpu.memref_squeeze %dma_wait3A_825 : memref<1x128x128xf32, #tpu.memory_space<vmem>> -> memref<128x128xf32, #tpu.memory_space<vmem>>
      %dma_wait3A_827 = arith.constant 0 : i32
      %dma_wait3A_828 = tpu.memref_slice %arg4[%mul3A_2, %dma_wait3A_821, %dma_wait3A_827] : memref<16384x26x128xf32, #tpu.memory_space<hbm>> -> memref<128x1x128xf32, #tpu.memory_space<hbm>>
      %dma_wait3A_829 = tpu.memref_squeeze %dma_wait3A_828 : memref<128x1x128xf32, #tpu.memory_space<hbm>> -> memref<128x128xf32, #tpu.memory_space<hbm>>
      %dma_wait3A_830 = tpu.memref_slice %arg8[%dma_wait3A_822] : memref<4x!tpu.dma_semaphore, #tpu.memory_space<semaphore_mem>> -> memref<1x!tpu.dma_semaphore, #tpu.memory_space<semaphore_mem>>
      %dma_wait3A_831 = tpu.memref_squeeze %dma_wait3A_830 : memref<1x!tpu.dma_semaphore, #tpu.memory_space<semaphore_mem>> -> memref<!tpu.dma_semaphore, #tpu.memory_space<semaphore_mem>>
      %dma_wait3A_832 = arith.constant 0 : i32
      %dma_wait3A_833 = tpu.memref_slice %arg4[%mul3A_2, %dma_wait3A_821, %dma_wait3A_832] : memref<16384x26x128xf32, #tpu.memory_space<hbm>> -> memref<128x1x128xf32, #tpu.memory_space<hbm>>
      %dma_wait3A_834 = tpu.memref_squeeze %dma_wait3A_833 : memref<128x1x128xf32, #tpu.memory_space<hbm>> -> memref<128x128xf32, #tpu.memory_space<hbm>>
      %dma_wait3A_835 = arith.constant 0 : i32
      %dma_wait3A_836 = arith.constant 0 : i32
      %dma_wait3A_837 = tpu.memref_slice %arg6[%dma_wait3A_820, %dma_wait3A_835, %dma_wait3A_836] : memref<4x128x128xf32, #tpu.memory_space<vmem>> -> memref<1x128x128xf32, #tpu.memory_space<vmem>>
      %dma_wait3A_838 = tpu.memref_squeeze %dma_wait3A_837 : memref<1x128x128xf32, #tpu.memory_space<vmem>> -> memref<128x128xf32, #tpu.memory_space<vmem>>
      tpu.wait_dma2 semaphore(%dma_wait3A_831 : memref<!tpu.dma_semaphore, #tpu.memory_space<semaphore_mem>>) src(%dma_wait3A_838 : memref<128x128xf32, #tpu.memory_space<vmem>>) dst(%dma_wait3A_834 : memref<128x128xf32, #tpu.memory_space<hbm>>)
      %add3A_839 = arith.constant 4 : i32
      %add3A_840 = arith.addi %add3A_743, %add3A_839 : i32
      %jit3A_841 = arith.constant 4 : i32
      %div3A_842 = arith.divsi %add3A_840, %jit3A_841 : i32
      %sign3A_843 = arith.constant 0 : i32
      %sign3A_844 = arith.cmpi sgt, %add3A_840, %sign3A_843 : i32
      %sign3A_845 = arith.extui %sign3A_844 : i1 to i32
      %sign3A_846 = arith.constant 0 : i32
      %sign3A_847 = arith.cmpi slt, %add3A_840, %sign3A_846 : i32
      %sign3A_848 = arith.extui %sign3A_847 : i1 to i32
      %sign3A_849 = arith.subi %sign3A_845, %sign3A_848 : i32
      %sign3A_850 = arith.constant 0 : i32
      %sign3A_851 = arith.cmpi sgt, %jit3A_841, %sign3A_850 : i32
      %sign3A_852 = arith.extui %sign3A_851 : i1 to i32
      %sign3A_853 = arith.constant 0 : i32
      %sign3A_854 = arith.cmpi slt, %jit3A_841, %sign3A_853 : i32
      %sign3A_855 = arith.extui %sign3A_854 : i1 to i32
      %sign3A_856 = arith.subi %sign3A_852, %sign3A_855 : i32
      %ne3A_857 = arith.cmpi ne, %sign3A_849, %sign3A_856 : i32
      %rem3A_858 = arith.remsi %add3A_840, %jit3A_841 : i32
      %ne3A_859 = arith.constant 0 : i32
      %ne3A_860 = arith.cmpi ne, %rem3A_858, %ne3A_859 : i32
      %and3A_861 = arith.andi %ne3A_857, %ne3A_860 : i1
      %sub3A_862 = arith.constant 1 : i32
      %sub3A_863 = arith.subi %div3A_842, %sub3A_862 : i32
      %select_n3A_864 = arith.select %and3A_861, %sub3A_863, %div3A_842 : i32
      %jit3A_865 = arith.constant 4 : i32
      %eq3A_866 = arith.constant 0 : i32
      %eq3A_867 = arith.cmpi eq, %jit3A_865, %eq3A_866 : i32
      %jit3A_868 = arith.constant 1 : i32
      %select_n3A_869 = arith.select %eq3A_867, %jit3A_868, %jit3A_865 : i32
      %rem3A_870 = arith.remsi %add3A_840, %select_n3A_869 : i32
      %ne3A_871 = arith.constant 0 : i32
      %ne3A_872 = arith.cmpi ne, %rem3A_870, %ne3A_871 : i32
      %lt3A_873 = arith.constant 0 : i32
      %lt3A_874 = arith.cmpi slt, %rem3A_870, %lt3A_873 : i32
      %lt3A_875 = arith.constant 0 : i32
      %lt3A_876 = arith.cmpi slt, %select_n3A_869, %lt3A_875 : i32
      %ne3A_877 = arith.xori %lt3A_874, %lt3A_876 : i1
      %and3A_878 = arith.andi %ne3A_877, %ne3A_872 : i1
      %add3A_879 = arith.addi %rem3A_870, %select_n3A_869 : i32
      %select_n3A_880 = arith.select %and3A_878, %add3A_879, %rem3A_870 : i32
      %mul3A_881 = arith.constant 128 : i32
      %mul3A_882 = arith.muli %select_n3A_880, %mul3A_881 : i32
      %dma_start3A_883 = arith.constant 3 : i32
      %dma_start3A_884 = arith.constant 3 : i32
      %dma_start3A_885 = arith.constant 0 : i32
      %dma_start3A_886 = arith.constant 0 : i32
      %dma_start3A_887 = tpu.memref_slice %arg6[%dma_start3A_883, %dma_start3A_885, %dma_start3A_886] : memref<4x128x128xf32, #tpu.memory_space<vmem>> -> memref<1x128x128xf32, #tpu.memory_space<vmem>>
      %dma_start3A_888 = tpu.memref_squeeze %dma_start3A_887 : memref<1x128x128xf32, #tpu.memory_space<vmem>> -> memref<128x128xf32, #tpu.memory_space<vmem>>
      %dma_start3A_889 = tpu.memref_slice %arg5[%select_n3A_864, %mul3A_882] : memref<26x512xi32, #tpu.memory_space<vmem>> -> memref<1x128xi32, #tpu.memory_space<vmem>>
      %dma_start3A_890 = tpu.memref_squeeze %dma_start3A_889 : memref<1x128xi32, #tpu.memory_space<vmem>> -> memref<128xi32, #tpu.memory_space<vmem>>
      %dma_start3A_891 = arith.constant 0 : i32
      %dma_start3A_892 = arith.constant 0 : i32
      %dma_start3A_893 = tpu.memref_slice %arg2[%dma_start3A_891, %dma_start3A_892] : memref<1000000x128xf32, #tpu.memory_space<hbm>> -> memref<1000000x128xf32, #tpu.memory_space<hbm>>
      %dma_start3A_894 = tpu.memref_slice %arg7[%dma_start3A_884] : memref<4x!tpu.dma_semaphore, #tpu.memory_space<semaphore_mem>> -> memref<1x!tpu.dma_semaphore, #tpu.memory_space<semaphore_mem>>
      %dma_start3A_895 = tpu.memref_squeeze %dma_start3A_894 : memref<1x!tpu.dma_semaphore, #tpu.memory_space<semaphore_mem>> -> memref<!tpu.dma_semaphore, #tpu.memory_space<semaphore_mem>>
      tpu.enqueue_indirect_dma source(%dma_start3A_893 : memref<1000000x128xf32, #tpu.memory_space<hbm>>) target(%dma_start3A_888 : memref<128x128xf32, #tpu.memory_space<vmem>>) offsets(%dma_start3A_890 : memref<128xi32, #tpu.memory_space<vmem>>) semaphore(%dma_start3A_895 : memref<!tpu.dma_semaphore, #tpu.memory_space<semaphore_mem>>)
    }
    %scan3A_65 = arith.constant 25 : i32
    %dma_wait3A = arith.constant 0 : i32
    %dma_wait3A_66 = arith.constant 0 : i32
    %dma_wait3A_67 = arith.constant 0 : i32
    %dma_wait3A_68 = arith.constant 0 : i32
    %dma_wait3A_69 = arith.constant 0 : i32
    %dma_wait3A_70 = tpu.memref_slice %arg6[%dma_wait3A_66, %dma_wait3A_68, %dma_wait3A_69] : memref<4x128x128xf32, #tpu.memory_space<vmem>> -> memref<1x128x128xf32, #tpu.memory_space<vmem>>
    %dma_wait3A_71 = tpu.memref_squeeze %dma_wait3A_70 : memref<1x128x128xf32, #tpu.memory_space<vmem>> -> memref<128x128xf32, #tpu.memory_space<vmem>>
    %dma_wait3A_72 = arith.constant 0 : i32
    %dma_wait3A_73 = tpu.memref_slice %arg5[%dma_wait3A, %dma_wait3A_72] : memref<26x512xi32, #tpu.memory_space<vmem>> -> memref<1x128xi32, #tpu.memory_space<vmem>>
    %dma_wait3A_74 = tpu.memref_squeeze %dma_wait3A_73 : memref<1x128xi32, #tpu.memory_space<vmem>> -> memref<128xi32, #tpu.memory_space<vmem>>
    %dma_wait3A_75 = arith.constant 0 : i32
    %dma_wait3A_76 = arith.constant 0 : i32
    %dma_wait3A_77 = tpu.memref_slice %arg2[%dma_wait3A_75, %dma_wait3A_76] : memref<1000000x128xf32, #tpu.memory_space<hbm>> -> memref<1000000x128xf32, #tpu.memory_space<hbm>>
    %dma_wait3A_78 = tpu.memref_slice %arg7[%dma_wait3A_67] : memref<4x!tpu.dma_semaphore, #tpu.memory_space<semaphore_mem>> -> memref<1x!tpu.dma_semaphore, #tpu.memory_space<semaphore_mem>>
    %dma_wait3A_79 = tpu.memref_squeeze %dma_wait3A_78 : memref<1x!tpu.dma_semaphore, #tpu.memory_space<semaphore_mem>> -> memref<!tpu.dma_semaphore, #tpu.memory_space<semaphore_mem>>
    tpu.wait_indirect_dma semaphore(%dma_wait3A_79 : memref<!tpu.dma_semaphore, #tpu.memory_space<semaphore_mem>>) src(%dma_wait3A_77 : memref<1000000x128xf32, #tpu.memory_space<hbm>>) dst(%dma_wait3A_71 : memref<128x128xf32, #tpu.memory_space<vmem>>)
    %add3A_80 = arith.constant 0 : i32
    %add3A_81 = arith.addi %mul3A_2, %add3A_80 : i32
    %dma_start3A_82 = arith.constant 0 : i32
    %dma_start3A_83 = arith.constant 25 : i32
    %dma_start3A_84 = arith.constant 0 : i32
    %dma_start3A_85 = arith.constant 0 : i32
    %dma_start3A_86 = arith.constant 0 : i32
    %dma_start3A_87 = tpu.memref_slice %arg6[%dma_start3A_82, %dma_start3A_85, %dma_start3A_86] : memref<4x128x128xf32, #tpu.memory_space<vmem>> -> memref<1x128x128xf32, #tpu.memory_space<vmem>>
    %dma_start3A_88 = tpu.memref_squeeze %dma_start3A_87 : memref<1x128x128xf32, #tpu.memory_space<vmem>> -> memref<128x128xf32, #tpu.memory_space<vmem>>
    %dma_start3A_89 = arith.constant 0 : i32
    %dma_start3A_90 = tpu.memref_slice %arg4[%add3A_81, %dma_start3A_83, %dma_start3A_89] : memref<16384x26x128xf32, #tpu.memory_space<hbm>> -> memref<128x1x128xf32, #tpu.memory_space<hbm>>
    %dma_start3A_91 = tpu.memref_squeeze %dma_start3A_90 : memref<128x1x128xf32, #tpu.memory_space<hbm>> -> memref<128x128xf32, #tpu.memory_space<hbm>>
    %dma_start3A_92 = tpu.memref_slice %arg8[%dma_start3A_84] : memref<4x!tpu.dma_semaphore, #tpu.memory_space<semaphore_mem>> -> memref<1x!tpu.dma_semaphore, #tpu.memory_space<semaphore_mem>>
    %dma_start3A_93 = tpu.memref_squeeze %dma_start3A_92 : memref<1x!tpu.dma_semaphore, #tpu.memory_space<semaphore_mem>> -> memref<!tpu.dma_semaphore, #tpu.memory_space<semaphore_mem>>
    %dma_start3A_94 = arith.constant 0 : i32
    %dma_start3A_95 = tpu.memref_slice %arg4[%add3A_81, %dma_start3A_83, %dma_start3A_94] : memref<16384x26x128xf32, #tpu.memory_space<hbm>> -> memref<128x1x128xf32, #tpu.memory_space<hbm>>
    %dma_start3A_96 = tpu.memref_squeeze %dma_start3A_95 : memref<128x1x128xf32, #tpu.memory_space<hbm>> -> memref<128x128xf32, #tpu.memory_space<hbm>>
    %dma_start3A_97 = arith.constant 0 : i32
    %dma_start3A_98 = arith.constant 0 : i32
    %dma_start3A_99 = tpu.memref_slice %arg6[%dma_start3A_82, %dma_start3A_97, %dma_start3A_98] : memref<4x128x128xf32, #tpu.memory_space<vmem>> -> memref<1x128x128xf32, #tpu.memory_space<vmem>>
    %dma_start3A_100 = tpu.memref_squeeze %dma_start3A_99 : memref<1x128x128xf32, #tpu.memory_space<vmem>> -> memref<128x128xf32, #tpu.memory_space<vmem>>
    tpu.enqueue_dma source(%dma_start3A_100 : memref<128x128xf32, #tpu.memory_space<vmem>>) target(%dma_start3A_96 : memref<128x128xf32, #tpu.memory_space<hbm>>) target_semaphore(%dma_start3A_93 : memref<!tpu.dma_semaphore, #tpu.memory_space<semaphore_mem>>)
    %dma_wait3A_101 = arith.constant 0 : i32
    %dma_wait3A_102 = arith.constant 1 : i32
    %dma_wait3A_103 = arith.constant 1 : i32
    %dma_wait3A_104 = arith.constant 0 : i32
    %dma_wait3A_105 = arith.constant 0 : i32
    %dma_wait3A_106 = tpu.memref_slice %arg6[%dma_wait3A_102, %dma_wait3A_104, %dma_wait3A_105] : memref<4x128x128xf32, #tpu.memory_space<vmem>> -> memref<1x128x128xf32, #tpu.memory_space<vmem>>
    %dma_wait3A_107 = tpu.memref_squeeze %dma_wait3A_106 : memref<1x128x128xf32, #tpu.memory_space<vmem>> -> memref<128x128xf32, #tpu.memory_space<vmem>>
    %dma_wait3A_108 = arith.constant 0 : i32
    %dma_wait3A_109 = tpu.memref_slice %arg5[%dma_wait3A_101, %dma_wait3A_108] : memref<26x512xi32, #tpu.memory_space<vmem>> -> memref<1x128xi32, #tpu.memory_space<vmem>>
    %dma_wait3A_110 = tpu.memref_squeeze %dma_wait3A_109 : memref<1x128xi32, #tpu.memory_space<vmem>> -> memref<128xi32, #tpu.memory_space<vmem>>
    %dma_wait3A_111 = arith.constant 0 : i32
    %dma_wait3A_112 = arith.constant 0 : i32
    %dma_wait3A_113 = tpu.memref_slice %arg2[%dma_wait3A_111, %dma_wait3A_112] : memref<1000000x128xf32, #tpu.memory_space<hbm>> -> memref<1000000x128xf32, #tpu.memory_space<hbm>>
    %dma_wait3A_114 = tpu.memref_slice %arg7[%dma_wait3A_103] : memref<4x!tpu.dma_semaphore, #tpu.memory_space<semaphore_mem>> -> memref<1x!tpu.dma_semaphore, #tpu.memory_space<semaphore_mem>>
    %dma_wait3A_115 = tpu.memref_squeeze %dma_wait3A_114 : memref<1x!tpu.dma_semaphore, #tpu.memory_space<semaphore_mem>> -> memref<!tpu.dma_semaphore, #tpu.memory_space<semaphore_mem>>
    tpu.wait_indirect_dma semaphore(%dma_wait3A_115 : memref<!tpu.dma_semaphore, #tpu.memory_space<semaphore_mem>>) src(%dma_wait3A_113 : memref<1000000x128xf32, #tpu.memory_space<hbm>>) dst(%dma_wait3A_107 : memref<128x128xf32, #tpu.memory_space<vmem>>)
    %add3A_116 = arith.constant 128 : i32
    %add3A_117 = arith.addi %mul3A_2, %add3A_116 : i32
    %dma_start3A_118 = arith.constant 1 : i32
    %dma_start3A_119 = arith.constant 25 : i32
    %dma_start3A_120 = arith.constant 1 : i32
    %dma_start3A_121 = arith.constant 0 : i32
    %dma_start3A_122 = arith.constant 0 : i32
    %dma_start3A_123 = tpu.memref_slice %arg6[%dma_start3A_118, %dma_start3A_121, %dma_start3A_122] : memref<4x128x128xf32, #tpu.memory_space<vmem>> -> memref<1x128x128xf32, #tpu.memory_space<vmem>>
    %dma_start3A_124 = tpu.memref_squeeze %dma_start3A_123 : memref<1x128x128xf32, #tpu.memory_space<vmem>> -> memref<128x128xf32, #tpu.memory_space<vmem>>
    %dma_start3A_125 = arith.constant 0 : i32
    %dma_start3A_126 = tpu.memref_slice %arg4[%add3A_117, %dma_start3A_119, %dma_start3A_125] : memref<16384x26x128xf32, #tpu.memory_space<hbm>> -> memref<128x1x128xf32, #tpu.memory_space<hbm>>
    %dma_start3A_127 = tpu.memref_squeeze %dma_start3A_126 : memref<128x1x128xf32, #tpu.memory_space<hbm>> -> memref<128x128xf32, #tpu.memory_space<hbm>>
    %dma_start3A_128 = tpu.memref_slice %arg8[%dma_start3A_120] : memref<4x!tpu.dma_semaphore, #tpu.memory_space<semaphore_mem>> -> memref<1x!tpu.dma_semaphore, #tpu.memory_space<semaphore_mem>>
    %dma_start3A_129 = tpu.memref_squeeze %dma_start3A_128 : memref<1x!tpu.dma_semaphore, #tpu.memory_space<semaphore_mem>> -> memref<!tpu.dma_semaphore, #tpu.memory_space<semaphore_mem>>
    %dma_start3A_130 = arith.constant 0 : i32
    %dma_start3A_131 = tpu.memref_slice %arg4[%add3A_117, %dma_start3A_119, %dma_start3A_130] : memref<16384x26x128xf32, #tpu.memory_space<hbm>> -> memref<128x1x128xf32, #tpu.memory_space<hbm>>
    %dma_start3A_132 = tpu.memref_squeeze %dma_start3A_131 : memref<128x1x128xf32, #tpu.memory_space<hbm>> -> memref<128x128xf32, #tpu.memory_space<hbm>>
    %dma_start3A_133 = arith.constant 0 : i32
    %dma_start3A_134 = arith.constant 0 : i32
    %dma_start3A_135 = tpu.memref_slice %arg6[%dma_start3A_118, %dma_start3A_133, %dma_start3A_134] : memref<4x128x128xf32, #tpu.memory_space<vmem>> -> memref<1x128x128xf32, #tpu.memory_space<vmem>>
    %dma_start3A_136 = tpu.memref_squeeze %dma_start3A_135 : memref<1x128x128xf32, #tpu.memory_space<vmem>> -> memref<128x128xf32, #tpu.memory_space<vmem>>
    tpu.enqueue_dma source(%dma_start3A_136 : memref<128x128xf32, #tpu.memory_space<vmem>>) target(%dma_start3A_132 : memref<128x128xf32, #tpu.memory_space<hbm>>) target_semaphore(%dma_start3A_129 : memref<!tpu.dma_semaphore, #tpu.memory_space<semaphore_mem>>)
    %dma_wait3A_137 = arith.constant 0 : i32
    %dma_wait3A_138 = arith.constant 2 : i32
    %dma_wait3A_139 = arith.constant 2 : i32
    %dma_wait3A_140 = arith.constant 0 : i32
    %dma_wait3A_141 = arith.constant 0 : i32
    %dma_wait3A_142 = tpu.memref_slice %arg6[%dma_wait3A_138, %dma_wait3A_140, %dma_wait3A_141] : memref<4x128x128xf32, #tpu.memory_space<vmem>> -> memref<1x128x128xf32, #tpu.memory_space<vmem>>
    %dma_wait3A_143 = tpu.memref_squeeze %dma_wait3A_142 : memref<1x128x128xf32, #tpu.memory_space<vmem>> -> memref<128x128xf32, #tpu.memory_space<vmem>>
    %dma_wait3A_144 = arith.constant 0 : i32
    %dma_wait3A_145 = tpu.memref_slice %arg5[%dma_wait3A_137, %dma_wait3A_144] : memref<26x512xi32, #tpu.memory_space<vmem>> -> memref<1x128xi32, #tpu.memory_space<vmem>>
    %dma_wait3A_146 = tpu.memref_squeeze %dma_wait3A_145 : memref<1x128xi32, #tpu.memory_space<vmem>> -> memref<128xi32, #tpu.memory_space<vmem>>
    %dma_wait3A_147 = arith.constant 0 : i32
    %dma_wait3A_148 = arith.constant 0 : i32
    %dma_wait3A_149 = tpu.memref_slice %arg2[%dma_wait3A_147, %dma_wait3A_148] : memref<1000000x128xf32, #tpu.memory_space<hbm>> -> memref<1000000x128xf32, #tpu.memory_space<hbm>>
    %dma_wait3A_150 = tpu.memref_slice %arg7[%dma_wait3A_139] : memref<4x!tpu.dma_semaphore, #tpu.memory_space<semaphore_mem>> -> memref<1x!tpu.dma_semaphore, #tpu.memory_space<semaphore_mem>>
    %dma_wait3A_151 = tpu.memref_squeeze %dma_wait3A_150 : memref<1x!tpu.dma_semaphore, #tpu.memory_space<semaphore_mem>> -> memref<!tpu.dma_semaphore, #tpu.memory_space<semaphore_mem>>
    tpu.wait_indirect_dma semaphore(%dma_wait3A_151 : memref<!tpu.dma_semaphore, #tpu.memory_space<semaphore_mem>>) src(%dma_wait3A_149 : memref<1000000x128xf32, #tpu.memory_space<hbm>>) dst(%dma_wait3A_143 : memref<128x128xf32, #tpu.memory_space<vmem>>)
    %add3A_152 = arith.constant 256 : i32
    %add3A_153 = arith.addi %mul3A_2, %add3A_152 : i32
    %dma_start3A_154 = arith.constant 2 : i32
    %dma_start3A_155 = arith.constant 25 : i32
    %dma_start3A_156 = arith.constant 2 : i32
    %dma_start3A_157 = arith.constant 0 : i32
    %dma_start3A_158 = arith.constant 0 : i32
    %dma_start3A_159 = tpu.memref_slice %arg6[%dma_start3A_154, %dma_start3A_157, %dma_start3A_158] : memref<4x128x128xf32, #tpu.memory_space<vmem>> -> memref<1x128x128xf32, #tpu.memory_space<vmem>>
    %dma_start3A_160 = tpu.memref_squeeze %dma_start3A_159 : memref<1x128x128xf32, #tpu.memory_space<vmem>> -> memref<128x128xf32, #tpu.memory_space<vmem>>
    %dma_start3A_161 = arith.constant 0 : i32
    %dma_start3A_162 = tpu.memref_slice %arg4[%add3A_153, %dma_start3A_155, %dma_start3A_161] : memref<16384x26x128xf32, #tpu.memory_space<hbm>> -> memref<128x1x128xf32, #tpu.memory_space<hbm>>
    %dma_start3A_163 = tpu.memref_squeeze %dma_start3A_162 : memref<128x1x128xf32, #tpu.memory_space<hbm>> -> memref<128x128xf32, #tpu.memory_space<hbm>>
    %dma_start3A_164 = tpu.memref_slice %arg8[%dma_start3A_156] : memref<4x!tpu.dma_semaphore, #tpu.memory_space<semaphore_mem>> -> memref<1x!tpu.dma_semaphore, #tpu.memory_space<semaphore_mem>>
    %dma_start3A_165 = tpu.memref_squeeze %dma_start3A_164 : memref<1x!tpu.dma_semaphore, #tpu.memory_space<semaphore_mem>> -> memref<!tpu.dma_semaphore, #tpu.memory_space<semaphore_mem>>
    %dma_start3A_166 = arith.constant 0 : i32
    %dma_start3A_167 = tpu.memref_slice %arg4[%add3A_153, %dma_start3A_155, %dma_start3A_166] : memref<16384x26x128xf32, #tpu.memory_space<hbm>> -> memref<128x1x128xf32, #tpu.memory_space<hbm>>
    %dma_start3A_168 = tpu.memref_squeeze %dma_start3A_167 : memref<128x1x128xf32, #tpu.memory_space<hbm>> -> memref<128x128xf32, #tpu.memory_space<hbm>>
    %dma_start3A_169 = arith.constant 0 : i32
    %dma_start3A_170 = arith.constant 0 : i32
    %dma_start3A_171 = tpu.memref_slice %arg6[%dma_start3A_154, %dma_start3A_169, %dma_start3A_170] : memref<4x128x128xf32, #tpu.memory_space<vmem>> -> memref<1x128x128xf32, #tpu.memory_space<vmem>>
    %dma_start3A_172 = tpu.memref_squeeze %dma_start3A_171 : memref<1x128x128xf32, #tpu.memory_space<vmem>> -> memref<128x128xf32, #tpu.memory_space<vmem>>
    tpu.enqueue_dma source(%dma_start3A_172 : memref<128x128xf32, #tpu.memory_space<vmem>>) target(%dma_start3A_168 : memref<128x128xf32, #tpu.memory_space<hbm>>) target_semaphore(%dma_start3A_165 : memref<!tpu.dma_semaphore, #tpu.memory_space<semaphore_mem>>)
    %dma_wait3A_173 = arith.constant 0 : i32
    %dma_wait3A_174 = arith.constant 3 : i32
    %dma_wait3A_175 = arith.constant 3 : i32
    %dma_wait3A_176 = arith.constant 0 : i32
    %dma_wait3A_177 = arith.constant 0 : i32
    %dma_wait3A_178 = tpu.memref_slice %arg6[%dma_wait3A_174, %dma_wait3A_176, %dma_wait3A_177] : memref<4x128x128xf32, #tpu.memory_space<vmem>> -> memref<1x128x128xf32, #tpu.memory_space<vmem>>
    %dma_wait3A_179 = tpu.memref_squeeze %dma_wait3A_178 : memref<1x128x128xf32, #tpu.memory_space<vmem>> -> memref<128x128xf32, #tpu.memory_space<vmem>>
    %dma_wait3A_180 = arith.constant 0 : i32
    %dma_wait3A_181 = tpu.memref_slice %arg5[%dma_wait3A_173, %dma_wait3A_180] : memref<26x512xi32, #tpu.memory_space<vmem>> -> memref<1x128xi32, #tpu.memory_space<vmem>>
    %dma_wait3A_182 = tpu.memref_squeeze %dma_wait3A_181 : memref<1x128xi32, #tpu.memory_space<vmem>> -> memref<128xi32, #tpu.memory_space<vmem>>
    %dma_wait3A_183 = arith.constant 0 : i32
    %dma_wait3A_184 = arith.constant 0 : i32
    %dma_wait3A_185 = tpu.memref_slice %arg2[%dma_wait3A_183, %dma_wait3A_184] : memref<1000000x128xf32, #tpu.memory_space<hbm>> -> memref<1000000x128xf32, #tpu.memory_space<hbm>>
    %dma_wait3A_186 = tpu.memref_slice %arg7[%dma_wait3A_175] : memref<4x!tpu.dma_semaphore, #tpu.memory_space<semaphore_mem>> -> memref<1x!tpu.dma_semaphore, #tpu.memory_space<semaphore_mem>>
    %dma_wait3A_187 = tpu.memref_squeeze %dma_wait3A_186 : memref<1x!tpu.dma_semaphore, #tpu.memory_space<semaphore_mem>> -> memref<!tpu.dma_semaphore, #tpu.memory_space<semaphore_mem>>
    tpu.wait_indirect_dma semaphore(%dma_wait3A_187 : memref<!tpu.dma_semaphore, #tpu.memory_space<semaphore_mem>>) src(%dma_wait3A_185 : memref<1000000x128xf32, #tpu.memory_space<hbm>>) dst(%dma_wait3A_179 : memref<128x128xf32, #tpu.memory_space<vmem>>)
    %add3A_188 = arith.constant 384 : i32
    %add3A_189 = arith.addi %mul3A_2, %add3A_188 : i32
    %dma_start3A_190 = arith.constant 3 : i32
    %dma_start3A_191 = arith.constant 25 : i32
    %dma_start3A_192 = arith.constant 3 : i32
    %dma_start3A_193 = arith.constant 0 : i32
    %dma_start3A_194 = arith.constant 0 : i32
    %dma_start3A_195 = tpu.memref_slice %arg6[%dma_start3A_190, %dma_start3A_193, %dma_start3A_194] : memref<4x128x128xf32, #tpu.memory_space<vmem>> -> memref<1x128x128xf32, #tpu.memory_space<vmem>>
    %dma_start3A_196 = tpu.memref_squeeze %dma_start3A_195 : memref<1x128x128xf32, #tpu.memory_space<vmem>> -> memref<128x128xf32, #tpu.memory_space<vmem>>
    %dma_start3A_197 = arith.constant 0 : i32
    %dma_start3A_198 = tpu.memref_slice %arg4[%add3A_189, %dma_start3A_191, %dma_start3A_197] : memref<16384x26x128xf32, #tpu.memory_space<hbm>> -> memref<128x1x128xf32, #tpu.memory_space<hbm>>
    %dma_start3A_199 = tpu.memref_squeeze %dma_start3A_198 : memref<128x1x128xf32, #tpu.memory_space<hbm>> -> memref<128x128xf32, #tpu.memory_space<hbm>>
    %dma_start3A_200 = tpu.memref_slice %arg8[%dma_start3A_192] : memref<4x!tpu.dma_semaphore, #tpu.memory_space<semaphore_mem>> -> memref<1x!tpu.dma_semaphore, #tpu.memory_space<semaphore_mem>>
    %dma_start3A_201 = tpu.memref_squeeze %dma_start3A_200 : memref<1x!tpu.dma_semaphore, #tpu.memory_space<semaphore_mem>> -> memref<!tpu.dma_semaphore, #tpu.memory_space<semaphore_mem>>
    %dma_start3A_202 = arith.constant 0 : i32
    %dma_start3A_203 = tpu.memref_slice %arg4[%add3A_189, %dma_start3A_191, %dma_start3A_202] : memref<16384x26x128xf32, #tpu.memory_space<hbm>> -> memref<128x1x128xf32, #tpu.memory_space<hbm>>
    %dma_start3A_204 = tpu.memref_squeeze %dma_start3A_203 : memref<128x1x128xf32, #tpu.memory_space<hbm>> -> memref<128x128xf32, #tpu.memory_space<hbm>>
    %dma_start3A_205 = arith.constant 0 : i32
    %dma_start3A_206 = arith.constant 0 : i32
    %dma_start3A_207 = tpu.memref_slice %arg6[%dma_start3A_190, %dma_start3A_205, %dma_start3A_206] : memref<4x128x128xf32, #tpu.memory_space<vmem>> -> memref<1x128x128xf32, #tpu.memory_space<vmem>>
    %dma_start3A_208 = tpu.memref_squeeze %dma_start3A_207 : memref<1x128x128xf32, #tpu.memory_space<vmem>> -> memref<128x128xf32, #tpu.memory_space<vmem>>
    tpu.enqueue_dma source(%dma_start3A_208 : memref<128x128xf32, #tpu.memory_space<vmem>>) target(%dma_start3A_204 : memref<128x128xf32, #tpu.memory_space<hbm>>) target_semaphore(%dma_start3A_201 : memref<!tpu.dma_semaphore, #tpu.memory_space<semaphore_mem>>)
    %dma_wait3A_209 = arith.constant 0 : i32
    %dma_wait3A_210 = arith.constant 0 : i32
    %dma_wait3A_211 = arith.constant 0 : i32
    %dma_wait3A_212 = arith.constant 0 : i32
    %dma_wait3A_213 = arith.constant 0 : i32
    %dma_wait3A_214 = tpu.memref_slice %arg6[%dma_wait3A_209, %dma_wait3A_212, %dma_wait3A_213] : memref<4x128x128xf32, #tpu.memory_space<vmem>> -> memref<1x128x128xf32, #tpu.memory_space<vmem>>
    %dma_wait3A_215 = tpu.memref_squeeze %dma_wait3A_214 : memref<1x128x128xf32, #tpu.memory_space<vmem>> -> memref<128x128xf32, #tpu.memory_space<vmem>>
    %dma_wait3A_216 = arith.constant 0 : i32
    %dma_wait3A_217 = tpu.memref_slice %arg4[%mul3A_2, %dma_wait3A_210, %dma_wait3A_216] : memref<16384x26x128xf32, #tpu.memory_space<hbm>> -> memref<128x1x128xf32, #tpu.memory_space<hbm>>
    %dma_wait3A_218 = tpu.memref_squeeze %dma_wait3A_217 : memref<128x1x128xf32, #tpu.memory_space<hbm>> -> memref<128x128xf32, #tpu.memory_space<hbm>>
    %dma_wait3A_219 = tpu.memref_slice %arg8[%dma_wait3A_211] : memref<4x!tpu.dma_semaphore, #tpu.memory_space<semaphore_mem>> -> memref<1x!tpu.dma_semaphore, #tpu.memory_space<semaphore_mem>>
    %dma_wait3A_220 = tpu.memref_squeeze %dma_wait3A_219 : memref<1x!tpu.dma_semaphore, #tpu.memory_space<semaphore_mem>> -> memref<!tpu.dma_semaphore, #tpu.memory_space<semaphore_mem>>
    %dma_wait3A_221 = arith.constant 0 : i32
    %dma_wait3A_222 = tpu.memref_slice %arg4[%mul3A_2, %dma_wait3A_210, %dma_wait3A_221] : memref<16384x26x128xf32, #tpu.memory_space<hbm>> -> memref<128x1x128xf32, #tpu.memory_space<hbm>>
    %dma_wait3A_223 = tpu.memref_squeeze %dma_wait3A_222 : memref<128x1x128xf32, #tpu.memory_space<hbm>> -> memref<128x128xf32, #tpu.memory_space<hbm>>
    %dma_wait3A_224 = arith.constant 0 : i32
    %dma_wait3A_225 = arith.constant 0 : i32
    %dma_wait3A_226 = tpu.memref_slice %arg6[%dma_wait3A_209, %dma_wait3A_224, %dma_wait3A_225] : memref<4x128x128xf32, #tpu.memory_space<vmem>> -> memref<1x128x128xf32, #tpu.memory_space<vmem>>
    %dma_wait3A_227 = tpu.memref_squeeze %dma_wait3A_226 : memref<1x128x128xf32, #tpu.memory_space<vmem>> -> memref<128x128xf32, #tpu.memory_space<vmem>>
    tpu.wait_dma2 semaphore(%dma_wait3A_220 : memref<!tpu.dma_semaphore, #tpu.memory_space<semaphore_mem>>) src(%dma_wait3A_227 : memref<128x128xf32, #tpu.memory_space<vmem>>) dst(%dma_wait3A_223 : memref<128x128xf32, #tpu.memory_space<hbm>>)
    %dma_wait3A_228 = arith.constant 1 : i32
    %dma_wait3A_229 = arith.constant 0 : i32
    %dma_wait3A_230 = arith.constant 1 : i32
    %dma_wait3A_231 = arith.constant 0 : i32
    %dma_wait3A_232 = arith.constant 0 : i32
    %dma_wait3A_233 = tpu.memref_slice %arg6[%dma_wait3A_228, %dma_wait3A_231, %dma_wait3A_232] : memref<4x128x128xf32, #tpu.memory_space<vmem>> -> memref<1x128x128xf32, #tpu.memory_space<vmem>>
    %dma_wait3A_234 = tpu.memref_squeeze %dma_wait3A_233 : memref<1x128x128xf32, #tpu.memory_space<vmem>> -> memref<128x128xf32, #tpu.memory_space<vmem>>
    %dma_wait3A_235 = arith.constant 0 : i32
    %dma_wait3A_236 = tpu.memref_slice %arg4[%mul3A_2, %dma_wait3A_229, %dma_wait3A_235] : memref<16384x26x128xf32, #tpu.memory_space<hbm>> -> memref<128x1x128xf32, #tpu.memory_space<hbm>>
    %dma_wait3A_237 = tpu.memref_squeeze %dma_wait3A_236 : memref<128x1x128xf32, #tpu.memory_space<hbm>> -> memref<128x128xf32, #tpu.memory_space<hbm>>
    %dma_wait3A_238 = tpu.memref_slice %arg8[%dma_wait3A_230] : memref<4x!tpu.dma_semaphore, #tpu.memory_space<semaphore_mem>> -> memref<1x!tpu.dma_semaphore, #tpu.memory_space<semaphore_mem>>
    %dma_wait3A_239 = tpu.memref_squeeze %dma_wait3A_238 : memref<1x!tpu.dma_semaphore, #tpu.memory_space<semaphore_mem>> -> memref<!tpu.dma_semaphore, #tpu.memory_space<semaphore_mem>>
    %dma_wait3A_240 = arith.constant 0 : i32
    %dma_wait3A_241 = tpu.memref_slice %arg4[%mul3A_2, %dma_wait3A_229, %dma_wait3A_240] : memref<16384x26x128xf32, #tpu.memory_space<hbm>> -> memref<128x1x128xf32, #tpu.memory_space<hbm>>
    %dma_wait3A_242 = tpu.memref_squeeze %dma_wait3A_241 : memref<128x1x128xf32, #tpu.memory_space<hbm>> -> memref<128x128xf32, #tpu.memory_space<hbm>>
    %dma_wait3A_243 = arith.constant 0 : i32
    %dma_wait3A_244 = arith.constant 0 : i32
    %dma_wait3A_245 = tpu.memref_slice %arg6[%dma_wait3A_228, %dma_wait3A_243, %dma_wait3A_244] : memref<4x128x128xf32, #tpu.memory_space<vmem>> -> memref<1x128x128xf32, #tpu.memory_space<vmem>>
    %dma_wait3A_246 = tpu.memref_squeeze %dma_wait3A_245 : memref<1x128x128xf32, #tpu.memory_space<vmem>> -> memref<128x128xf32, #tpu.memory_space<vmem>>
    tpu.wait_dma2 semaphore(%dma_wait3A_239 : memref<!tpu.dma_semaphore, #tpu.memory_space<semaphore_mem>>) src(%dma_wait3A_246 : memref<128x128xf32, #tpu.memory_space<vmem>>) dst(%dma_wait3A_242 : memref<128x128xf32, #tpu.memory_space<hbm>>)
    %dma_wait3A_247 = arith.constant 2 : i32
    %dma_wait3A_248 = arith.constant 0 : i32
    %dma_wait3A_249 = arith.constant 2 : i32
    %dma_wait3A_250 = arith.constant 0 : i32
    %dma_wait3A_251 = arith.constant 0 : i32
    %dma_wait3A_252 = tpu.memref_slice %arg6[%dma_wait3A_247, %dma_wait3A_250, %dma_wait3A_251] : memref<4x128x128xf32, #tpu.memory_space<vmem>> -> memref<1x128x128xf32, #tpu.memory_space<vmem>>
    %dma_wait3A_253 = tpu.memref_squeeze %dma_wait3A_252 : memref<1x128x128xf32, #tpu.memory_space<vmem>> -> memref<128x128xf32, #tpu.memory_space<vmem>>
    %dma_wait3A_254 = arith.constant 0 : i32
    %dma_wait3A_255 = tpu.memref_slice %arg4[%mul3A_2, %dma_wait3A_248, %dma_wait3A_254] : memref<16384x26x128xf32, #tpu.memory_space<hbm>> -> memref<128x1x128xf32, #tpu.memory_space<hbm>>
    %dma_wait3A_256 = tpu.memref_squeeze %dma_wait3A_255 : memref<128x1x128xf32, #tpu.memory_space<hbm>> -> memref<128x128xf32, #tpu.memory_space<hbm>>
    %dma_wait3A_257 = tpu.memref_slice %arg8[%dma_wait3A_249] : memref<4x!tpu.dma_semaphore, #tpu.memory_space<semaphore_mem>> -> memref<1x!tpu.dma_semaphore, #tpu.memory_space<semaphore_mem>>
    %dma_wait3A_258 = tpu.memref_squeeze %dma_wait3A_257 : memref<1x!tpu.dma_semaphore, #tpu.memory_space<semaphore_mem>> -> memref<!tpu.dma_semaphore, #tpu.memory_space<semaphore_mem>>
    %dma_wait3A_259 = arith.constant 0 : i32
    %dma_wait3A_260 = tpu.memref_slice %arg4[%mul3A_2, %dma_wait3A_248, %dma_wait3A_259] : memref<16384x26x128xf32, #tpu.memory_space<hbm>> -> memref<128x1x128xf32, #tpu.memory_space<hbm>>
    %dma_wait3A_261 = tpu.memref_squeeze %dma_wait3A_260 : memref<128x1x128xf32, #tpu.memory_space<hbm>> -> memref<128x128xf32, #tpu.memory_space<hbm>>
    %dma_wait3A_262 = arith.constant 0 : i32
    %dma_wait3A_263 = arith.constant 0 : i32
    %dma_wait3A_264 = tpu.memref_slice %arg6[%dma_wait3A_247, %dma_wait3A_262, %dma_wait3A_263] : memref<4x128x128xf32, #tpu.memory_space<vmem>> -> memref<1x128x128xf32, #tpu.memory_space<vmem>>
    %dma_wait3A_265 = tpu.memref_squeeze %dma_wait3A_264 : memref<1x128x128xf32, #tpu.memory_space<vmem>> -> memref<128x128xf32, #tpu.memory_space<vmem>>
    tpu.wait_dma2 semaphore(%dma_wait3A_258 : memref<!tpu.dma_semaphore, #tpu.memory_space<semaphore_mem>>) src(%dma_wait3A_265 : memref<128x128xf32, #tpu.memory_space<vmem>>) dst(%dma_wait3A_261 : memref<128x128xf32, #tpu.memory_space<hbm>>)
    %dma_wait3A_266 = arith.constant 3 : i32
    %dma_wait3A_267 = arith.constant 0 : i32
    %dma_wait3A_268 = arith.constant 3 : i32
    %dma_wait3A_269 = arith.constant 0 : i32
    %dma_wait3A_270 = arith.constant 0 : i32
    %dma_wait3A_271 = tpu.memref_slice %arg6[%dma_wait3A_266, %dma_wait3A_269, %dma_wait3A_270] : memref<4x128x128xf32, #tpu.memory_space<vmem>> -> memref<1x128x128xf32, #tpu.memory_space<vmem>>
    %dma_wait3A_272 = tpu.memref_squeeze %dma_wait3A_271 : memref<1x128x128xf32, #tpu.memory_space<vmem>> -> memref<128x128xf32, #tpu.memory_space<vmem>>
    %dma_wait3A_273 = arith.constant 0 : i32
    %dma_wait3A_274 = tpu.memref_slice %arg4[%mul3A_2, %dma_wait3A_267, %dma_wait3A_273] : memref<16384x26x128xf32, #tpu.memory_space<hbm>> -> memref<128x1x128xf32, #tpu.memory_space<hbm>>
    %dma_wait3A_275 = tpu.memref_squeeze %dma_wait3A_274 : memref<128x1x128xf32, #tpu.memory_space<hbm>> -> memref<128x128xf32, #tpu.memory_space<hbm>>
    %dma_wait3A_276 = tpu.memref_slice %arg8[%dma_wait3A_268] : memref<4x!tpu.dma_semaphore, #tpu.memory_space<semaphore_mem>> -> memref<1x!tpu.dma_semaphore, #tpu.memory_space<semaphore_mem>>
    %dma_wait3A_277 = tpu.memref_squeeze %dma_wait3A_276 : memref<1x!tpu.dma_semaphore, #tpu.memory_space<semaphore_mem>> -> memref<!tpu.dma_semaphore, #tpu.memory_space<semaphore_mem>>
    %dma_wait3A_278 = arith.constant 0 : i32
    %dma_wait3A_279 = tpu.memref_slice %arg4[%mul3A_2, %dma_wait3A_267, %dma_wait3A_278] : memref<16384x26x128xf32, #tpu.memory_space<hbm>> -> memref<128x1x128xf32, #tpu.memory_space<hbm>>
    %dma_wait3A_280 = tpu.memref_squeeze %dma_wait3A_279 : memref<128x1x128xf32, #tpu.memory_space<hbm>> -> memref<128x128xf32, #tpu.memory_space<hbm>>
    %dma_wait3A_281 = arith.constant 0 : i32
    %dma_wait3A_282 = arith.constant 0 : i32
    %dma_wait3A_283 = tpu.memref_slice %arg6[%dma_wait3A_266, %dma_wait3A_281, %dma_wait3A_282] : memref<4x128x128xf32, #tpu.memory_space<vmem>> -> memref<1x128x128xf32, #tpu.memory_space<vmem>>
    %dma_wait3A_284 = tpu.memref_squeeze %dma_wait3A_283 : memref<1x128x128xf32, #tpu.memory_space<vmem>> -> memref<128x128xf32, #tpu.memory_space<vmem>>
    tpu.wait_dma2 semaphore(%dma_wait3A_277 : memref<!tpu.dma_semaphore, #tpu.memory_space<semaphore_mem>>) src(%dma_wait3A_284 : memref<128x128xf32, #tpu.memory_space<vmem>>) dst(%dma_wait3A_280 : memref<128x128xf32, #tpu.memory_space<hbm>>)
    return
  }
}

module attributes {stable_mosaic.version = 14 : i64} {
  func.func @_transpose_block(%arg0: i32, %arg1: memref<64x4096xf32, #tpu.memory_space<vmem>>, %arg2: memref<4096x128xf32, #tpu.memory_space<vmem>>) attributes {dimension_semantics = [#tpu.dimension_semantics<arbitrary>], iteration_bounds = array<i64: 245>, scalar_prefetch = 0 : i64, scratch_operands = 0 : i64, tpu.core_type = #tpu.core_type<tc>, window_params = [{transform_indices = @transform_0, window_bounds = array<i64: 64, 4096>}, {transform_indices = @transform_1, window_bounds = array<i64: 4096, 128>}]} {
    %get3A = arith.constant 0 : index
    %get3A_0 = arith.constant 0 : index
    %get3A_1 = vector.load %arg1[%get3A, %get3A_0] : memref<64x4096xf32, #tpu.memory_space<vmem>>, vector<64x4096xf32>
    %iota3A = tpu.iota {dimensions = array<i32: 0>} : vector<64x128xi32>
    %iota3A_2 = tpu.iota {dimensions = array<i32: 1>} : vector<64x128xi32>
    %jit3A = arith.constant 64 : i32
    %eq3A = arith.constant 0 : i32
    %eq3A_3 = arith.cmpi eq, %jit3A, %eq3A : i32
    %jit3A_4 = arith.constant 1 : i32
    %select_n3A = arith.select %eq3A_3, %jit3A_4, %jit3A : i32
    %rem3A = vector.broadcast %select_n3A : i32 to vector<64x128xi32>
    %rem3A_5 = arith.remsi %iota3A_2, %rem3A : vector<64x128xi32>
    %ne3A = arith.constant 0 : i32
    %ne3A_6 = vector.broadcast %ne3A : i32 to vector<64x128xi32>
    %ne3A_7 = arith.cmpi ne, %rem3A_5, %ne3A_6 : vector<64x128xi32>
    %lt3A = arith.constant 0 : i32
    %lt3A_8 = vector.broadcast %lt3A : i32 to vector<64x128xi32>
    %lt3A_9 = arith.cmpi slt, %rem3A_5, %lt3A_8 : vector<64x128xi32>
    %lt3A_10 = arith.constant 0 : i32
    %lt3A_11 = arith.cmpi slt, %select_n3A, %lt3A_10 : i32
    %ne3A_12 = vector.broadcast %lt3A_11 : i1 to vector<64x128xi1>
    %ne3A_13 = vector.broadcast %ne3A_12 : vector<64x128xi1> to vector<64x128xi1>
    %ne3A_14 = arith.xori %lt3A_9, %ne3A_13 : vector<64x128xi1>
    %and3A = arith.andi %ne3A_14, %ne3A_7 : vector<64x128xi1>
    %add3A = vector.broadcast %select_n3A : i32 to vector<64x128xi32>
    %add3A_15 = arith.addi %rem3A_5, %add3A : vector<64x128xi32>
    %select_n3A_16 = arith.select %and3A, %add3A_15, %rem3A_5 : vector<64x128xi1>, vector<64x128xi32>
    %eq3A_17 = arith.cmpi eq, %iota3A, %select_n3A_16 : vector<64x128xi32>
    %convert_element_type3A = arith.extui %eq3A_17 : vector<64x128xi1> to vector<64x128xi32>
    %convert_element_type3A_18 = arith.sitofp %convert_element_type3A : vector<64x128xi32> to vector<64x128xf32>
    %dot_general3A = arith.constant dense<0.000000e+00> : vector<4096x128xf32>
    %dot_general3A_19 = tpu.matmul %get3A_1, %convert_element_type3A_18, %dot_general3A {dimension_numbers = #tpu.dot_dimension_numbers<[0], [0], [1], [1], [0, 1, 1, 1], [], []>, transpose_lhs_hint = false} : vector<64x4096xf32>, vector<64x128xf32>, vector<4096x128xf32> -> vector<4096x128xf32>
    %swap3A = arith.constant 0 : index
    %swap3A_20 = arith.constant 0 : index
    %swap3A_21 = vector.load %arg2[%swap3A, %swap3A_20] : memref<4096x128xf32, #tpu.memory_space<vmem>>, vector<4096x128xf32>
    tpu.vector_store %arg2[%swap3A, %swap3A_20], %dot_general3A_19 {strides = array<i32>} : memref<4096x128xf32, #tpu.memory_space<vmem>>, vector<4096x128xf32>,
    return
  }
  func.func @transform_0(%arg0: i32) -> (i32, i32) {
    %c0_i32 = arith.constant 0 : i32
    %c0_i32_0 = arith.constant 0 : i32
    return %c0_i32, %arg0 : i32, i32
  }
  func.func @transform_1(%arg0: i32) -> (i32, i32) {
    %c0_i32 = arith.constant 0 : i32
    %c0_i32_0 = arith.constant 0 : i32
    return %arg0, %c0_i32 : i32, i32
  }
}

</mosaic_0001>

<sc_bundles>
// kernel: kernel.4.cloned.1.call-start
scs
__scs_entry_jumppad:
0x0: {  	(pc) =	sbr.rel $0x88, $3  }
0x1: {  	(tag) =	ssettag $0x0;
	lr =	simm.s32 $0x1  }
0x2: {  	[smem:$0x3F9F] =	sst lr;
	_ =	strace $0xD0000000  }
0x3: {  	_ = 	snop  }
0x4: {  	_ = 	snop  }
0x5: {  	_ = 	snop  }
0x6: {  	_ = 	snop  }
0x7: {  	_ = 	snop  }
__scs_overlays_trampoline_lowered:
0x8: {  	[smem:$0x3FAE] =	sst s0  }
0x9: {  	[smem:$0x3FAF] =	sst s1  }
0xa: {  	[smem:$0x3FB0] =	sst s2  }
0xb: {  	[smem:$0x3FB1] =	sst s3  }
0xc: {  	[smem:$0x3FB2] =	sst s4  }
0xd: {  	[smem:$0x3FB3] =	sst s5  }
0xe: {  	[smem:$0x3FB4] =	sst s6  }
0xf: {  	[smem:$0x3FB5] =	sst s7  }
0x10: {  	[smem:$0x3FB6] =	sst s8  }
0x11: {  	[smem:$0x3FB7] =	sst s9;
	s0 =	simm.s32 @!p0 $0x0  }
0x12: {  	s1 =	sld [smem:$0x3F9D];
	s0 =	simm.s32 @p0 $0x1  }
0x13: {  	[smem:$0x3FB8] =	sst s0;
	s0 =	simm.s32 @!p1 $0x0  }
0x14: {  	s2 =	sld [smem:$0x3F9C];
	s0 =	simm.s32 @p1 $0x1  }
0x15: {  	[smem:$0x3FB9] =	sst s0;
	s0 =	simm.s32 @!p2 $0x0  }
0x16: {  	s3 =	sld [smem:$0x3FDB];
	s0 =	simm.s32 @p2 $0x1  }
0x17: {  	s4 =	simm.s32 $0x1BF5;
	[smem:$0x3FBB] =	sst s0  }
0x18: {  	s0 =	sld [smem:$0x3F9E];
	_ =	swait.ge [sflag:s4], $0x0  }
0x19: {  	s7 =	sld [smem:$0x3F9F]  }
0x1a: {  	s8 =	sadd.s32 $0xFFFFE003, lr  }
0x1b: {  	s9 =	sadd.s32 $0xFFFFFEF7, lr;
	s5 =	simm.s32 $0xFFFFFFFF;
	p2 =	slt.u32 s8, $0xFFFFF086  }
0x1c: {  	p1 =	slt.u32 s9, $0xF7A;
	s5 =	simm.s32 @!p2 $0x0  }
0x1d: {  	s5 =	simm.s32 @p1 $0x1;
	p0 =	seq.s32 s7, s2  }
0x1e: {  	s7 =	smul.u32 @!p0 $0xF7A, s2;
	p2 =	seq.s32 @!p0 s5, $0x0  }
0x1f: {  	s9 =	smul.u32 $0xF7A, s1;
	s8 =	simm.s32 @!p0 $0x1BF5;
	p2 =	por !p2, p0  }
0x20: {  	[sflag:s8] =	ssyncset.s32 @!p0 $0xFFFFF086;
	s6 =	sadd.s32 @!p0 s3, s7;
	s7 =	simm.s32 @!p0 $0x108  }
0x21: {  	s3 =	sadd.s32 s3, s9;
	s6 =	sadd.s32 @!p0 $0x88, s6;
	s7 =	simm.s32 @p2 $0x1082  }
0x22: {  	[simem:s7], [sflag:s8] =	dma.local @!p0 [hbm:s6], $0xF7A  }
0x23: {  	s9 =	sor.u32 $0xD0000000, s2;
	s6 =	simm.s32 $0x108;
	_ =	swait.ge @!p0 [sflag:s8], $0x0  }
0x24: {  	s3 =	sadd.s32 $0x88, s3;
	s6 =	simm.s32 @!p1 $0x1082;
	[sflag:s4] =	ssyncset.s32 $0xFFFFF086  }
0x25: {  	[simem:s6], [sflag:s4] =	dma.local [hbm:s3], $0xF7A  }
0x26: {  	[smem:$0x3F9F] =	sst s1;
	(tag) =	ssettag s2;
	_ =	strace s9  }
0x27: {  	s1 =	sld [smem:$0x3FAF]  }
0x28: {  	s2 =	sld [smem:$0x3FB0]  }
0x29: {  	s4 =	sld [smem:$0x3FB2]  }
0x2a: {  	p0 =	seq.s32 s5, $0x0;
	s5 =	sld [smem:$0x3FB3]  }
0x2b: {  	s6 =	sld [smem:$0x3FB4]  }
0x2c: {  	s7 =	sld [smem:$0x3FB5]  }
0x2d: {  	s3 =	simm.s32 $0x108;
	s8 =	sld [smem:$0x3FB6]  }
0x2e: {  	s3 =	simm.s32 @!p0 $0x1082;
	s9 =	sld [smem:$0x3FB7]  }
0x2f: {  	lr =	sadd.s32 s0, s3;
	s0 =	sld [smem:$0x3FAE]  }
0x30: {  	s3 =	sld [smem:$0x3FB1]  }
0x31: {  	[smem:$0x3FBA] =	sst s10  }
0x32: {  	s10 =	sld [smem:$0x3FB8];
	_ =	sdelay $0x3  }
0x33: {  	p0 =	seq.s32 s10, $0x1;
	s10 =	sld [smem:$0x3FBA];
	_ =	sdelay $0x3  }
0x34: {  	[smem:$0x3FBA] =	sst s10  }
0x35: {  	s10 =	sld [smem:$0x3FB9];
	_ =	sdelay $0x3  }
0x36: {  	p1 =	seq.s32 s10, $0x1;
	s10 =	sld [smem:$0x3FBA];
	_ =	sdelay $0x3  }
0x37: {  	[smem:$0x3FBA] =	sst s10  }
0x38: {  	s10 =	sld [smem:$0x3FBB]  }
0x39: {  	_ = 	snop;
	(pc) =	sbr.ind lr, $3  }
0x3a: {  	_ = 	snop  }
0x3b: {  	_ = 	snop  }
0x3c: {  	p2 =	seq.s32 s10, $0x1;
	s10 =	sld [smem:$0x3FBA]  }
0x3d: {  	_ =	shalt  }
0x3e: {  	_ =	shalt  }
0x3f: {  	_ =	shalt  }
0x40: {  	_ =	shalt  }
0x41: {  	_ =	shalt  }
0x42: {  	_ =	shalt  }
0x43: {  	_ =	shalt  }
0x44: {  	_ =	shalt  }
0x45: {  	_ =	shalt  }
0x46: {  	_ =	shalt  }
0x47: {  	_ =	shalt  }
0x48: {  	_ =	shalt  }
0x49: {  	_ =	shalt  }
0x4a: {  	_ =	shalt  }
0x4b: {  	_ =	shalt  }
0x4c: {  	_ =	shalt  }
0x4d: {  	_ =	shalt  }
0x4e: {  	_ =	shalt  }
0x4f: {  	_ =	shalt  }
0x50: {  	_ =	shalt  }
0x51: {  	_ =	shalt  }
0x52: {  	_ =	shalt  }
0x53: {  	_ =	shalt  }
0x54: {  	_ =	shalt  }
0x55: {  	_ =	shalt  }
0x56: {  	_ =	shalt  }
0x57: {  	_ =	shalt  }
0x58: {  	_ =	shalt  }
0x59: {  	_ =	shalt  }
0x5a: {  	_ =	shalt  }
0x5b: {  	_ =	shalt  }
0x5c: {  	_ =	shalt  }
0x5d: {  	_ =	shalt  }
0x5e: {  	_ =	shalt  }
0x5f: {  	_ =	shalt  }
0x60: {  	_ =	shalt  }
0x61: {  	_ =	shalt  }
0x62: {  	_ =	shalt  }
0x63: {  	_ =	shalt  }
0x64: {  	_ =	shalt  }
0x65: {  	_ =	shalt  }
0x66: {  	_ =	shalt  }
0x67: {  	_ =	shalt  }
0x68: {  	_ =	shalt  }
0x69: {  	_ =	shalt  }
0x6a: {  	_ =	shalt  }
0x6b: {  	_ =	shalt  }
0x6c: {  	_ =	shalt  }
0x6d: {  	_ =	shalt  }
0x6e: {  	_ =	shalt  }
0x6f: {  	_ =	shalt  }
0x70: {  	_ =	shalt  }
0x71: {  	_ =	shalt  }
0x72: {  	_ =	shalt  }
0x73: {  	_ =	shalt  }
0x74: {  	_ =	shalt  }
0x75: {  	_ =	shalt  }
0x76: {  	_ =	shalt  }
0x77: {  	_ =	shalt  }
0x78: {  	_ =	shalt  }
0x79: {  	_ =	shalt  }
0x7a: {  	_ =	shalt  }
0x7b: {  	_ =	shalt  }
0x7c: {  	_ =	shalt  }
0x7d: {  	_ =	shalt  }
0x7e: {  	_ =	shalt  }
0x7f: {  	_ =	shalt  }
0x80: {  	_ =	shalt  }
0x81: {  	_ =	shalt  }
0x82: {  	_ =	shalt  }
0x83: {  	_ =	shalt  }
0x84: {  	_ =	shalt  }
0x85: {  	_ =	shalt  }
0x86: {  	_ =	shalt  }
0x87: {  	_ =	shalt  }
.Lfunc_end0:
.L_simem_size_0:
called_computation.1_lowered:
.L_overlay_start_0:
0x88: {  	s2 =	sld [smem:$0x3FD9]  }
0x89: {  	s3 =	sld [smem:$0x3FFE];
	_ =	sdelay $0x1  }
0x8a: {  	s1 =	srdreg.scid  }
0x8b: {  	s0 =	sand.u32 $0x1, s1  }
0x8c: {  	s17 =	sshll.u32 s0, $0xA;
	s2 =	sadd.s32 s3, s2  }
0x8d: {  	s2 =	sadd.s32 s2, s17  }
0x8e: {  	[smem:$0x3FC6] =	sst s2  }
0x8f: {  	_ = 	snop  }
0x90: {  	s2 =	sld [smem:$0x3FC9];
	(tm) =	ssettm $0x1  }
0x91: {  	s18 =	sld [smem:$0x3FFB];
	_ =	sdelay $0x3  }
0x92: {  	_ =	strace s18  }
0x93: {  	s3 =	sld [smem:$0x3FFC];
	_ =	sdelay $0x3  }
0x94: {  	_ =	strace s3  }
0x95: {  	s3 =	sld [smem:$0x3FFD];
	_ =	sdelay $0x3  }
0x96: {  	_ =	strace s3  }
0x97: {  	_ =	strace $0x8FFFFFFF  }
0x98: {  	s19 =	sld [smem:$0x3FDB];
	_ =	sdelay $0x1  }
0x99: {  	s4 =	simm.s32 $_scs_section_size  }
0x9a: {  	s5 =	simm.s32 $_size__tile_overlayer_lowered;
	s6 =	simm.s32 $_tile_overlayer_lowered  }
0x9b: {  	s22 =	simm.s32 $0x1BFF;
	s21 =	sshll.u32 s6, $0x1;
	s3 =	sadd.s32 s4, s19  }
0x9c: {  	s7 =	simm.s32 $0x0;
	s20 =	sshll.u32 s5, $0x1;
	s5 =	sadd.s32 s21, s3  }
0x9d: {  	[timem:s7], [sflag:s22] =	dma.local [hbm:s5], s20  }
0x9e: {  	_ =	swait.ge [sflag:s22], s20  }
0x9f: {  	s4 =	ssub.s32 $0x0, s20;
	[sflag:s22] =	ssyncset.done $0x0  }
0xa0: {  	[sflag:s22] =	ssyncadd.s32 s4;
	_ =	sdelay $0x1  }
0xa1: {  	s23 =	simm.s32 $0x1B8B  }
0xa2: {  	_ =	swait.ge [sflag:s23], $0x1  }
0xa3: {  	[sflag:s23] =	ssyncset.done $0x0  }
0xa4: {  	s25 =	simm.s32 $0x1B8E;
	s24 =	sld [smem:$0x3FFE];
	[sflag:s23] =	ssyncadd.s32 $0xFFFFFFFF  }
0xa5: {  	s26 =	simm.s32 $execute0_lowered;
	[smem:$0x3FD2] =	sst s25  }
0xa6: {  	s5 =	sshll.u32 s26, $0x1;
	_ =	strace $0x80000046;
	[dreg:$0x1] =	wrdreg $0xFFFFFFFF  }
0xa7: {  	s28 =	simm.s32 $_size_execute0_lowered;
	s3 =	sadd.s32 s3, s5;
	[dreg:$0x0] =	wrdreg $0x0  }
0xa8: {  	s5 =	sshll.u32 s28, $0x1;
	[dreg:$0x2] =	wrdreg s3  }
0xa9: {  	[dreg:$0x3] =	wrdreg s5  }
0xaa: {  	[dreg:$0x4] =	wrdreg $0xC0  }
0xab: {  	_ =	task [dreg:s7], $0x5FFFF  }
0xac: {  	[dreg:$0x1] =	wrdreg $0xFFFFFFFF  }
0xad: {  	[dreg:$0x0] =	wrdreg $0x60  }
0xae: {  	[dreg:$0x2] =	wrdreg s24  }
0xaf: {  	[dreg:$0x3] =	wrdreg s2  }
0xb0: {  	[dreg:$0x4] =	wrdreg $0x9  }
0xb1: {  	_ =	task.clear_ibuf [dreg:s7], $0x5FFFF;
	_ =	strace $0x90000046  }
0xb2: {  	s29 =	simm.s32 $0x9;
	_ =	strace $0x80000048  }
0xb3: {  	_ =	swait.ge [sflag:s29], $0x1  }
0xb4: {  	[sflag:s29] =	ssyncadd.s32 $0xFFFFFFFF  }
0xb5: {  	_ =	strace $0x90000048  }
0xb6: {  	_ =	sfence  }
0xb7: {  	s30 =	sld [smem:$0x0];
	_ =	sdelay $0x2  }
0xb8: {  	s31 =	sshll.u32 s1, $0xD;
	s1 =	sshrl.u32 s1, $0x2  }
0xb9: {  	s3 =	sand.u32 $0x4000, s31;
	s1 =	sadd.s32 s1, s30  }
0xba: {  	s0 =	sor.u32 s3, s0;
	s1 =	sshll.u32 s1, $0x11  }
0xbb: {  	s0 =	sor.u32 s1, s0  }
0xbc: {  	s0 =	sadd.s32 $0x8F2B, s0  }
0xbd: {  	[sflag:s0] =	ssyncadd.remote.s32 $0x1  }
0xbe: {  	_ =	sfence.sel $0xFFFF  }
0xbf: {  	[dreg:$0x0] =	wrdreg $0xFFFFFFFF;
	(pc) =	sbr.abs _section_cstart, $3  }
0xc0: {  	[dreg:$0x1] =	wrdreg $0xFFFFFFFF  }
0xc1: {  	_ =	task.clear_ibuf [dreg:s7], $0x2FFFF;
	_ =	strace $0x9FFFFFFF  }
0xc2: {  	(tm) =	ssettm $0x7FFFFFFF  }
0xc3: {  	_ =	shalt  }
tec
execute0_lowered:
.L_overlay_start_1:
0x0: {  	(tag) =	ssettag $0x1  }
0x1: {  	s0 =	rddreg [dreg:$0x0]  }
0x2: {  	s1 =	rddreg [dreg:$0x1]  }
0x3: {  	s2 =	simm.s32 $0x0;
	s3 =	srdreg.scid;
	s11 =	stileid.u32  }
0x4: {  	s13 =	simm.s32 $0x9;
	s14 =	simm.s32 $0x4000;
	s16 =	simm.s32 $0x8000  }
0x5: {  	s18 =	simm.s32 $0xC000;
	s20 =	simm.s32 $0x10000;
	s21 =	simm.s32 $0x1  }
0x6: {  	s22 =	simm.s32 $0x80;
	s23 =	simm.s32 $0x5;
	s24 =	simm.s32 $0x2  }
0x7: {  	s28 =	simm.s32 $0x7;
	s29 =	simm.s32 $0x4;
	s30 =	simm.s32 $0x8  }
0x8: {  	s31 =	simm.s32 $0x0;
	[smem:$0x7FF] =	sst s2;
	s10 =	sand.u32 $0x1, s3  }
0x9: {  	s4 =	sshll.u32 s11, $0x1;
	s3 =	sadd.s32 $0x800, s0;
	s0 =	sadd.s32 $0xF42C00, s0  }
0xa: {  	s25 =	sshll.u32 s11, $0x13;
	s11 =	simm.s32 $0x1000;
	_ =	strace $0x80000047  }
0xb: {  	s5 =	ssub.s32 $0x2, s10;
	s4 =	sor.u32 s10, s4;
	s26 =	sshll.u32 s10, $0x12  }
0xc: {  	s6 =	sshrl.u32 s5, $0x1;
	s7 =	sshll.u32 s4, $0x12;
	s4 =	sshll.u32 s4, $0x9  }
0xd: {  	s9 =	ssub.s32 s5, s6;
	s8 =	sadd.s32 s7, s0;
	s4 =	sadd.s32 s1, s4  }
0xe: {  	s0 =	sadd.s32 s25, s0;
	s25 =	simm.s32 $0x6;
	s5 =	sadd.s32 $0x190, s8  }
0xf: {  	s6 =	sadd.s32 $0x10190, s8;
	s7 =	sadd.s32 $0x20190, s8;
	s8 =	sadd.s32 $0x30190, s8  }
0x10: {  	s9 =	smax.u32 s9, $0x1;
	s10 =	sadd.s32 s26, s0;
	s26 =	simm.s32 $0x3  }
.LBB2_1:
0x11: {  	s0 =	simm.s32 $0x20000  }
0x12: {  	[tilespmem:s2], [sflag:$0x9] =	stream.strided.gather [hbm4b:s4+s11], $0x4000, s0, s11, $0x38;
	[tilespmem:$0x14000] =	vst v63  }
0x13: {  	_ =	swait.ge [sflag:s13], $0x4000  }
0x14: {  	[sflag:s13] =	ssyncset.done $0x0  }
0x15: {  	[sflag:s13] =	ssyncadd.s32 $0xFFFFC000  }
0x16: {  	[tilespmem:s14], [sflag:$0x1] =	stream.indirect.gather [hbm4b:s3+s22], $0x80, s2, s22, $0xb8;
	[tilespmem:$0x14000] =	vst v63  }
0x17: {  	s12 =	simm.s32 $0x400  }
0x18: {  	[tilespmem:s16], [sflag:$0x2] =	stream.indirect.gather [hbm4b:s3+s22], $0x80, s12, s22, $0xb8;
	[tilespmem:$0x14000] =	vst v63  }
0x19: {  	s15 =	simm.s32 $0x800  }
0x1a: {  	[tilespmem:s18], [sflag:$0x3] =	stream.indirect.gather [hbm4b:s3+s22], $0x80, s15, s22, $0xb8;
	[tilespmem:$0x14000] =	vst v63  }
0x1b: {  	s17 =	simm.s32 $0xC00  }
0x1c: {  	[tilespmem:s20], [sflag:$0x4] =	stream.indirect.gather [hbm4b:s3+s22], $0x80, s17, s22, $0xb8;
	[tilespmem:$0x14000] =	vst v63  }
0x1d: {  	_ =	swait.ge [sflag:s21], $0x4000  }
0x1e: {  	[sflag:s21] =	ssyncset.done $0x0  }
0x1f: {  	s0 =	sadd.s32 $0x0, s10;
	[sflag:s21] =	ssyncadd.s32 $0xFFFFC000  }
0x20: {  	[hbm4b:s0+s22] =	stream.strided.scatter [tilespmem:s14], [sflag:$0x5], $0x4000, s11, s22, $0x38;
	[tilespmem:$0x14000] =	vst v63  }
0x21: {  	s1 =	simm.s32 $0x200;
	_ =	swait.ge [sflag:s23], $0x4000  }
0x22: {  	s1 =	sand.u32 $0x7000, s1;
	s12 =	sand.u32 $0x380, s22;
	[sflag:s23] =	ssyncset.done $0x0  }
0x23: {  	s12 =	sor.u32 s12, s1;
	[sflag:s23] =	ssyncadd.s32 $0xFFFFC000  }
0x24: {  	[tilespmem:s14], [sflag:$0x1] =	stream.indirect.gather [hbm4b:s3+s22], $0x80, s12, s22, $0xb8;
	[tilespmem:$0x14000] =	vst v63  }
0x25: {  	_ =	swait.ge [sflag:s24], $0x4000  }
0x26: {  	[sflag:s24] =	ssyncset.done $0x0  }
0x27: {  	s19 =	sadd.s32 $0x10000, s0;
	[sflag:s24] =	ssyncadd.s32 $0xFFFFC000  }
0x28: {  	[hbm4b:s19+s22] =	stream.strided.scatter [tilespmem:s16], [sflag:$0x6], $0x4000, s11, s22, $0x38;
	[tilespmem:$0x14000] =	vst v63  }
0x29: {  	_ =	swait.ge [sflag:s25], $0x4000  }
0x2a: {  	[sflag:s25] =	ssyncset.done $0x0  }
0x2b: {  	s15 =	sor.u32 $0x400, s12;
	[sflag:s25] =	ssyncadd.s32 $0xFFFFC000  }
0x2c: {  	[tilespmem:s16], [sflag:$0x2] =	stream.indirect.gather [hbm4b:s3+s22], $0x80, s15, s22, $0xb8;
	[tilespmem:$0x14000] =	vst v63  }
0x2d: {  	_ =	swait.ge [sflag:s26], $0x4000  }
0x2e: {  	[sflag:s26] =	ssyncset.done $0x0  }
0x2f: {  	s17 =	sadd.s32 $0x20000, s0;
	[sflag:s26] =	ssyncadd.s32 $0xFFFFC000  }
0x30: {  	[hbm4b:s17+s22] =	stream.strided.scatter [tilespmem:s18], [sflag:$0x7], $0x4000, s11, s22, $0x38;
	[tilespmem:$0x14000] =	vst v63  }
0x31: {  	_ =	swait.ge [sflag:s28], $0x4000  }
0x32: {  	[sflag:s28] =	ssyncset.done $0x0  }
0x33: {  	s19 =	sor.u32 $0x800, s12;
	[sflag:s28] =	ssyncadd.s32 $0xFFFFC000  }
0x34: {  	[tilespmem:s18], [sflag:$0x3] =	stream.indirect.gather [hbm4b:s3+s22], $0x80, s19, s22, $0xb8;
	[tilespmem:$0x14000] =	vst v63  }
0x35: {  	_ =	swait.ge [sflag:s29], $0x4000  }
0x36: {  	[sflag:s29] =	ssyncset.done $0x0  }
0x37: {  	s0 =	sadd.s32 $0x30000, s0;
	[sflag:s29] =	ssyncadd.s32 $0xFFFFC000  }
0x38: {  	[hbm4b:s0+s22] =	stream.strided.scatter [tilespmem:s20], [sflag:$0x8], $0x4000, s11, s22, $0x38;
	[tilespmem:$0x14000] =	vst v63  }
0x39: {  	_ =	swait.ge [sflag:s30], $0x4000  }
0x3a: {  	s1 =	simm.s32 $0x400;
	s15 =	sor.u32 $0xC00, s12;
	[sflag:s30] =	ssyncset.done $0x0  }
0x3b: {  	s12 =	simm.s32 $0x100;
	s0 =	simm.s32 $0x10;
	[sflag:s30] =	ssyncadd.s32 $0xFFFFC000  }
.LBB2_2:
0x3c: {  	[tilespmem:s20], [sflag:$0x4] =	stream.indirect.gather [hbm4b:s3+s22], $0x80, s15, s22, $0xb8;
	[tilespmem:$0x14000] =	vst v63  }
0x3d: {  	s15 =	smov.u32 s0  }
0x3e: {  	p0 =	sne.s32 s0, $0x180;
	s0 =	sadd.s32 $0x10, s0;
	_ =	swait.ge [sflag:s21], $0x4000  }
0x3f: {  	[sflag:s21] =	ssyncset.done $0x0  }
0x40: {  	s15 =	sadd.s32 s15, s10;
	[sflag:s21] =	ssyncadd.s32 $0xFFFFC000  }
0x41: {  	[hbm4b:s15+s22] =	stream.strided.scatter [tilespmem:s14], [sflag:$0x5], $0x4000, s11, s22, $0x38;
	[tilespmem:$0x14000] =	vst v63  }
0x42: {  	_ =	swait.ge [sflag:s23], $0x4000  }
0x43: {  	s17 =	sand.u32 $0x7000, s1;
	s19 =	sand.u32 $0x380, s12;
	[sflag:s23] =	ssyncset.done $0x0  }
0x44: {  	s17 =	sor.u32 s19, s17;
	[sflag:s23] =	ssyncadd.s32 $0xFFFFC000  }
0x45: {  	[tilespmem:s14], [sflag:$0x1] =	stream.indirect.gather [hbm4b:s3+s22], $0x80, s17, s22, $0xb8;
	[tilespmem:$0x14000] =	vst v63  }
0x46: {  	_ =	swait.ge [sflag:s24], $0x4000  }
0x47: {  	[sflag:s24] =	ssyncset.done $0x0  }
0x48: {  	s19 =	sadd.s32 $0x10000, s15;
	[sflag:s24] =	ssyncadd.s32 $0xFFFFC000  }
0x49: {  	[hbm4b:s19+s22] =	stream.strided.scatter [tilespmem:s16], [sflag:$0x6], $0x4000, s11, s22, $0x38;
	[tilespmem:$0x14000] =	vst v63  }
0x4a: {  	_ =	swait.ge [sflag:s25], $0x4000  }
0x4b: {  	[sflag:s25] =	ssyncset.done $0x0  }
0x4c: {  	s19 =	sor.u32 $0x400, s17;
	[sflag:s25] =	ssyncadd.s32 $0xFFFFC000  }
0x4d: {  	[tilespmem:s16], [sflag:$0x2] =	stream.indirect.gather [hbm4b:s3+s22], $0x80, s19, s22, $0xb8;
	[tilespmem:$0x14000] =	vst v63  }
0x4e: {  	_ =	swait.ge [sflag:s26], $0x4000  }
0x4f: {  	[sflag:s26] =	ssyncset.done $0x0  }
0x50: {  	s19 =	sadd.s32 $0x20000, s15;
	[sflag:s26] =	ssyncadd.s32 $0xFFFFC000  }
0x51: {  	[hbm4b:s19+s22] =	stream.strided.scatter [tilespmem:s18], [sflag:$0x7], $0x4000, s11, s22, $0x38;
	[tilespmem:$0x14000] =	vst v63  }
0x52: {  	_ =	swait.ge [sflag:s28], $0x4000  }
0x53: {  	[sflag:s28] =	ssyncset.done $0x0  }
0x54: {  	s19 =	sor.u32 $0x800, s17;
	[sflag:s28] =	ssyncadd.s32 $0xFFFFC000  }
0x55: {  	[tilespmem:s18], [sflag:$0x3] =	stream.indirect.gather [hbm4b:s3+s22], $0x80, s19, s22, $0xb8;
	[tilespmem:$0x14000] =	vst v63  }
0x56: {  	_ =	swait.ge [sflag:s29], $0x4000  }
0x57: {  	[sflag:s29] =	ssyncset.done $0x0  }
.Ltmp0:
0x58: {  	s15 =	sadd.s32 $0x30000, s15;
	[sflag:s29] =	ssyncadd.s32 $0xFFFFC000;
	(pc) =	sbr.rel @p0 .LBB2_2-.Ltmp0, $4  }
0x59: {  	[hbm4b:s15+s22] =	stream.strided.scatter [tilespmem:s20], [sflag:$0x8], $0x4000, s11, s22, $0x38;
	[tilespmem:$0x14000] =	vst v63  }
0x5a: {  	_ =	swait.ge [sflag:s30], $0x4000  }
0x5b: {  	s1 =	sadd.s32 $0x200, s1;
	[sflag:s30] =	ssyncset.done $0x0  }
0x5c: {  	s12 =	sadd.s32 $0x80, s12;
	s15 =	sor.u32 $0xC00, s17;
	[sflag:s30] =	ssyncadd.s32 $0xFFFFC000  }
0x5d: {  	[tilespmem:s20], [sflag:$0x4] =	stream.indirect.gather [hbm4b:s3+s22], $0x80, s15, s22, $0xb8;
	[tilespmem:$0x14000] =	vst v63  }
0x5e: {  	_ =	swait.ge [sflag:s21], $0x4000  }
0x5f: {  	[sflag:s21] =	ssyncset.done $0x0  }
0x60: {  	[sflag:s21] =	ssyncadd.s32 $0xFFFFC000  }
0x61: {  	[hbm4b:s5+s22] =	stream.strided.scatter [tilespmem:s14], [sflag:$0x5], $0x4000, s11, s22, $0x38;
	[tilespmem:$0x14000] =	vst v63  }
0x62: {  	_ =	swait.ge [sflag:s24], $0x4000  }
0x63: {  	[sflag:s24] =	ssyncset.done $0x0  }
0x64: {  	[sflag:s24] =	ssyncadd.s32 $0xFFFFC000  }
0x65: {  	[hbm4b:s6+s22] =	stream.strided.scatter [tilespmem:s16], [sflag:$0x6], $0x4000, s11, s22, $0x38;
	[tilespmem:$0x14000] =	vst v63  }
0x66: {  	_ =	swait.ge [sflag:s26], $0x4000  }
0x67: {  	[sflag:s26] =	ssyncset.done $0x0  }
0x68: {  	[sflag:s26] =	ssyncadd.s32 $0xFFFFC000  }
0x69: {  	[hbm4b:s7+s22] =	stream.strided.scatter [tilespmem:s18], [sflag:$0x7], $0x4000, s11, s22, $0x38;
	[tilespmem:$0x14000] =	vst v63  }
0x6a: {  	_ =	swait.ge [sflag:s29], $0x4000  }
0x6b: {  	[sflag:s29] =	ssyncset.done $0x0  }
0x6c: {  	[sflag:s29] =	ssyncadd.s32 $0xFFFFC000  }
0x6d: {  	[hbm4b:s8+s22] =	stream.strided.scatter [tilespmem:s20], [sflag:$0x8], $0x4000, s11, s22, $0x38;
	[tilespmem:$0x14000] =	vst v63  }
0x6e: {  	_ =	swait.ge [sflag:s23], $0x4000  }
0x6f: {  	[sflag:s23] =	ssyncset.done $0x0  }
0x70: {  	[sflag:s23] =	ssyncadd.s32 $0xFFFFC000  }
0x71: {  	_ =	swait.ge [sflag:s25], $0x4000  }
0x72: {  	[sflag:s25] =	ssyncset.done $0x0  }
0x73: {  	s31 =	sadd.s32 $0x1, s31;
	[sflag:s25] =	ssyncadd.s32 $0xFFFFC000  }
0x74: {  	p0 =	sne.s32 s31, s9;
	_ =	swait.ge [sflag:s28], $0x4000  }
.Ltmp1:
0x75: {  	[sflag:s28] =	ssyncset.done $0x0;
	(pc) =	sbr.rel @p0 .LBB2_1-.Ltmp1, $4  }
0x76: {  	[sflag:s28] =	ssyncadd.s32 $0xFFFFC000  }
0x77: {  	_ =	swait.ge [sflag:s30], $0x4000  }
0x78: {  	[sflag:s30] =	ssyncset.done $0x0  }
0x79: {  	[sflag:s30] =	ssyncadd.s32 $0xFFFFC000  }
0x7a: {  	_ =	sfence.sel $0x180000  }
0x7b: {  	[bflag:$0x0] =	sbarrier.arrive $0xFFFF  }
0x7c: {  	_ =	strace $0x90000047  }
0x7d: {  	s0 =	stileid.u32;
	[bflag:$0x2] =	sbarrier.arrive $0xFFFF  }
0x7e: {  	p0 =	sne.s32 s0, $0x0;
	s0 =	rddreg [dreg:$0x2]  }
0x7f: {  	s0 =	sadd.s32 @!p0 $0x100000, s0  }
0x80: {  	[sflag:s0] =	ssyncadd.tile.s32 @!p0 $0x1;
	_ =	shalt  }
.Lfunc_end2:
_tile_overlayer_lowered:
.L_overlay_start_2:
0x81: {  	(tag) =	ssettag $0x2  }
0x82: {  	s0 =	rddreg [dreg:$0x0];
	s2 =	stileid.u32  }
0x83: {  	s1 =	rddreg [dreg:$0x1];
	p0 =	sne.s32 s2, $0x0  }
0x84: {  	s3 =	rddreg [dreg:$0x2];
	[bflag:$0x3] =	sbarrier.arrive $0xFFFF;
	s2 =	simm.s32 @!p0 $0x1C09  }
0x85: {  	[timem:s3], [sflag:s2] =	dma.local @!p0 [hbm:s0], s1  }
0x86: {  	s0 =	simm.s32 @!p0 $0x9  }
0x87: {  	_ =	swait.ge @!p0 [sflag:s0], s1  }
0x88: {  	s1 =	ssub.s32 @!p0 $0x0, s1;
	[sflag:s0] =	ssyncset.done @!p0 $0x0  }
0x89: {  	[sflag:s0] =	ssyncadd.s32 @!p0 s1  }
0x8a: {  	[bflag:$0x3] =	sbarrier.arrive $0xFFFF  }
0x8b: {  	_ =	shalt  }

// kernel: sparse-core-data-format-call.cloned.1.call-start
scs
called_computation_lowered:
.L_overlay_start_0:
0x0: {  	s2 =	sld [smem:$0x3FD9]  }
0x1: {  	s3 =	sld [smem:$0x3FFE];
	_ =	sdelay $0x1  }
0x2: {  	s1 =	srdreg.scid  }
0x3: {  	s0 =	sand.u32 $0x1, s1  }
0x4: {  	s18 =	sshll.u32 s0, $0xA;
	s2 =	sadd.s32 s3, s2  }
0x5: {  	s2 =	sadd.s32 s2, s18  }
0x6: {  	[smem:$0x3FC6] =	sst s2  }
0x7: {  	_ = 	snop  }
0x8: {  	s2 =	sld [smem:$0x3FD0];
	(tm) =	ssettm $0x1  }
0x9: {  	s19 =	sld [smem:$0x3FFB];
	_ =	sdelay $0x3  }
0xa: {  	_ =	strace s19  }
0xb: {  	s3 =	sld [smem:$0x3FFC];
	_ =	sdelay $0x3  }
0xc: {  	_ =	strace s3  }
0xd: {  	s3 =	sld [smem:$0x3FFD];
	_ =	sdelay $0x3  }
0xe: {  	_ =	strace s3  }
0xf: {  	_ =	strace $0x8FFFFFFF  }
0x10: {  	s20 =	sld [smem:$0x3FDB];
	_ =	sdelay $0x1  }
0x11: {  	s4 =	simm.s32 $_scs_section_size  }
0x12: {  	s5 =	simm.s32 $_size__tile_overlayer_lowered;
	s6 =	simm.s32 $_tile_overlayer_lowered  }
0x13: {  	s23 =	simm.s32 $0x1BFF;
	s22 =	sshll.u32 s6, $0x1;
	s3 =	sadd.s32 s4, s20  }
0x14: {  	s7 =	simm.s32 $0x0;
	s21 =	sshll.u32 s5, $0x1;
	s5 =	sadd.s32 s22, s3  }
0x15: {  	[timem:s7], [sflag:s23] =	dma.local [hbm:s5], s21  }
0x16: {  	_ =	swait.ge [sflag:s23], s21  }
0x17: {  	s4 =	ssub.s32 $0x0, s21;
	[sflag:s23] =	ssyncset.done $0x0  }
0x18: {  	[sflag:s23] =	ssyncadd.s32 s4;
	_ =	sdelay $0x1  }
0x19: {  	s24 =	simm.s32 $0x1B8B  }
0x1a: {  	_ =	swait.ge [sflag:s24], $0x1  }
0x1b: {  	[sflag:s24] =	ssyncset.done $0x0  }
0x1c: {  	s26 =	simm.s32 $0x1B8E;
	s25 =	sld [smem:$0x3FFE];
	[sflag:s24] =	ssyncadd.s32 $0xFFFFFFFF  }
0x1d: {  	s27 =	simm.s32 $execute0_lowered;
	[smem:$0x3FD2] =	sst s26  }
0x1e: {  	s5 =	sshll.u32 s27, $0x1;
	_ =	strace $0x80000049;
	[dreg:$0x1] =	wrdreg $0xFFFFFFFF  }
0x1f: {  	s28 =	simm.s32 $_size_execute0_lowered;
	s3 =	sadd.s32 s3, s5;
	[dreg:$0x0] =	wrdreg $0x0  }
0x20: {  	s5 =	sshll.u32 s28, $0x1;
	[dreg:$0x2] =	wrdreg s3  }
0x21: {  	[dreg:$0x3] =	wrdreg s5  }
0x22: {  	[dreg:$0x4] =	wrdreg $0xC0  }
0x23: {  	_ =	task [dreg:s7], $0x5FFFF  }
0x24: {  	[dreg:$0x1] =	wrdreg $0xFFFFFFFF  }
0x25: {  	[dreg:$0x0] =	wrdreg $0x60  }
0x26: {  	[dreg:$0x2] =	wrdreg s25  }
0x27: {  	[dreg:$0x3] =	wrdreg s2  }
0x28: {  	[dreg:$0x4] =	wrdreg $0x9  }
0x29: {  	_ =	task.clear_ibuf [dreg:s7], $0x5FFFF;
	_ =	strace $0x90000049  }
0x2a: {  	s29 =	simm.s32 $0x9;
	_ =	strace $0x8000004B  }
0x2b: {  	_ =	swait.ge [sflag:s29], $0x1  }
0x2c: {  	[sflag:s29] =	ssyncadd.s32 $0xFFFFFFFF  }
0x2d: {  	_ =	strace $0x9000004B  }
0x2e: {  	_ =	sfence  }
0x2f: {  	s30 =	sld [smem:$0x0];
	_ =	sdelay $0x2  }
0x30: {  	s31 =	sshll.u32 s1, $0xD;
	s1 =	sshrl.u32 s1, $0x2  }
0x31: {  	s3 =	sand.u32 $0x4000, s31;
	s1 =	sadd.s32 s1, s30  }
0x32: {  	s0 =	sor.u32 s3, s0;
	s1 =	sshll.u32 s1, $0x11  }
0x33: {  	s0 =	sor.u32 s1, s0  }
0x34: {  	s0 =	sadd.s32 $0x8F2B, s0  }
0x35: {  	[sflag:s0] =	ssyncadd.remote.s32 $0x1  }
0x36: {  	_ =	sfence.sel $0xFFFF  }
0x37: {  	[dreg:$0x0] =	wrdreg $0xFFFFFFFF;
	(pc) =	sbr.abs _section_cstart, $3  }
0x38: {  	[dreg:$0x1] =	wrdreg $0xFFFFFFFF  }
0x39: {  	_ =	task.clear_ibuf [dreg:s7], $0x2FFFF;
	_ =	strace $0x9FFFFFFF  }
0x3a: {  	(tm) =	ssettm $0x7FFFFFFF  }
0x3b: {  	_ =	shalt  }
tec
execute0_lowered:
.L_overlay_start_1:
0x0: {  	(tag) =	ssettag $0x1  }
0x1: {  	s0 =	srdreg.scid  }
0x2: {  	s1 =	sshll.u32 s0, $0x4  }
0x3: {  	s0 =	stileid.u32;
	s1 =	sand.u32 $0x10, s1  }
0x4: {  	s1 =	sor.u32 s0, s1  }
0x5: {  	s6 =	rddreg [dreg:$0x0];
	s4 =	simm.s32 $0x1;
	s2 =	sshll.u32 s1, $0x7  }
0x6: {  	s7 =	simm.s32 $0x2;
	s12 =	simm.s32 $0x0;
	s1 =	ssub.s32 $0x4000, s2  }
0x7: {  	s8 =	simm.s32 $0x20000;
	s13 =	simm.s32 $0x0;
	s3 =	sand.u32 $0xF80, s1  }
0x8: {  	s9 =	simm.s32 $0x0;
	s5 =	sshrl.u32 s1, $0xC;
	p0 =	sne.s32 s3, $0x0  }
.Ltmp0:
0x9: {  	s1 =	rddreg [dreg:$0x2];
	s4 =	simm.s32 @!p0 $0x0;
	(pc) =	sbr.rel .LBB1_1-.Ltmp0, $4  }
0xa: {  	s11 =	simm.s32 $0x0;
	s3 =	rddreg [dreg:$0x1];
	s5 =	sadd.s32 s4, s5  }
0xb: {  	_ =	strace $0x8000004A;
	s4 =	simm.s32 $0x1;
	s5 =	smul.u32 $0x1A, s5  }
0xc: {  	s6 =	sadd.s32 $0xF42C00, s6;
	s10 =	smov.u32 s2;
	[sflag:s4] =	ssyncpa.u1 $0x0  }
0xd: {  	p0 =	por $0x0, $0x0;
	[sflag:s7] =	ssyncpa.u1 $0x0;
	s7 =	sor.u32 $0x1, s5  }
.LBB1_4:
0xe: {  	s16 =	sshll.u32 s13, $0x3;
	s17 =	sand.u32 $0x78, s13  }
0xf: {  	s30 =	sand.u32 $0x1F800, s13;
	s12 =	sshll.u32 s12, $0x11;
	s16 =	sand.u32 $0x3C00, s16  }
0x10: {  	[tilespmem:s15+$0x810 ss:$0x81] =	vst.msk $0xffff, v2;
	s31 =	sand.u32 $0x7, s13;
	s16 =	sor.u32 s17, s16;
	s17 =	sadd.s32 s3, s30  }
0x11: {  	[tilespmem:s15+$0x1020 ss:$0x81] =	vst.msk $0xffff, v0;
	s13 =	sshll.u32 s31, $0x12;
	s12 =	sadd.s32 s12, s17;
	s16 =	sshrl.u32 s16, $0x3  }
0x12: {  	[tilespmem:s15+$0x0 ss:$0x81] =	vst.msk $0xffff, v1;
	s13 =	sor.u32 $0x400, s13;
	s12 =	sadd.s32 s16, s12  }
0x13: {  	[hbm4b:s12+s13] =	stream.strided.scatter [tilespmem:s14], [sflag:$0x2], $0x2000, s8, s13, $0x20;
	[tilespmem:$0x8080] =	vst v63  }
.LBB1_5:
0x14: {  	s14 =	sadd.s32 $0x1, s9  }
0x15: {  	s12 =	sadd.s32 $0x1000, s10;
	s16 =	smov.u32 s10;
	p2 =	sgt.s32 s14, $0x19  }
0x16: {  	s16 =	smov.u32 @p2 s12  }
0x17: {  	s14 =	simm.s32 @p2 $0x0;
	p2 =	sgt.s32 s16, $0x3FFF  }
0x18: {  	s16 =	smov.u32 @p2 s2;
	p2 =	sne.s32 s11, s7  }
.Ltmp1:
0x19: {  	p1 =	slt.u32 s11, $0x2;
	(pc) =	sbr.rel @!p2 .LBB1_6-.Ltmp1, $4  }
0x1a: {  	s15 =	simm.s32 @!p1 $0x2  }
0x1b: {  	s13 =	smov.u32 s10;
	p0 =	por !p0, !p0;
	_ =	swait.ge @!p1 [sflag:s15], $0x2000  }
0x1c: {  	s12 =	smov.u32 s9;
	[sflag:s15] =	ssyncset.done @!p1 $0x0;
	s9 =	smov.u32 s14  }
0x1d: {  	s11 =	sadd.s32 $0x1, s11;
	[sflag:s15] =	ssyncadd.s32 @!p1 $0xFFFFE000;
	s10 =	smov.u32 s16  }
.LBB1_1:
0x1e: {  	p1 =	sge.u32 s11, s5  }
0x1f: {  	s31 =	sadd.s32 $0xFFFFFFFF, s11;
	s14 =	sxor.u32 @!p1 $0xFFFFFFFF, s11  }
0x20: {  	s15 =	sshll.u32 @!p1 s10, $0x9;
	s16 =	sshll.u32 @!p1 s9, $0x4;
	s17 =	simm.s32 @!p1 $0x1000  }
0x21: {  	s14 =	sshll.u32 @!p1 s14, $0xD;
	s16 =	sand.u32 @!p1 $0x1F0, s16;
	s15 =	sadd.s32 @!p1 s6, s15  }
0x22: {  	s14 =	sand.u32 @!p1 $0x2000, s14;
	s15 =	sadd.s32 @!p1 s16, s15;
	s16 =	simm.s32 @!p1 $0x40  }
0x23: {  	[tilespmem:s14], [sflag:$0x1] =	stream.strided.gather @!p1 [hbm4b:s15+s16], $0x2000, s17, s16, $0x38;
	[tilespmem:$0x8080] =	vst v63  }
0x24: {  	p1 =	sge.u32 s31, s5  }
.Ltmp2:
0x25: {  	_ = 	snop;
	(pc) =	sbr.rel @p1 .LBB1_5-.Ltmp2, $1  }
0x26: {  	_ =	sdelay $0x3  }
0x27: {  	s14 =	simm.s32 $0x1  }
0x28: {  	_ =	swait.ge [sflag:s4], $0x2000;
	s14 =	simm.s32 @!p0 $0x0  }
0x29: {  	[sflag:s4] =	ssyncset.done $0x0;
	s15 =	sshll.u32 s14, $0xD  }
0x2a: {  	[sflag:s4] =	ssyncadd.s32 $0xFFFFE000;
	s18 =	sor.u32 $0x20, s15  }
0x2b: {  	s14 =	smul.u32 $0x8100, s14;
	v3 =	vld [tilespmem:s18+$0x10]  }
0x2c: {  	s30 =	sand.u32 $0x1, s11;
	v2 =	vld [tilespmem:s18+$0xFFFFFFF0]  }
0x2d: {  	s15 =	smul.u32 $0x8100, s30;
	s14 =	sshrl.u32 s14, $0x2;
	v0 =	vld [tilespmem:s18+$0x0]  }
0x2e: {  	v1 =	vld [tilespmem:s18+$0xFFFFFFE0];
	s16 =	sor.u32 $0x4000, s14  }
0x2f: {  	s31 =	sshrl.u32 s15, $0x2;
	s15 =	sadd.s32 $0x0, s16  }
0x30: {  	s17 =	simm.s32 $0x4;
	s18 =	sadd.s32 $0x40, s18;
	s14 =	sor.u32 $0x4000, s31;
	[tilespmem:s15+$0x1830 ss:$0x81] =	vst.msk $0xffff, v3  }
.LBB1_3:
0x31: {  	v3 =	vld [tilespmem:s18+$0x10];
	p1 =	sne.s32 s17, $0x1FC;
	[tilespmem:s15+$0x810 ss:$0x81] =	vst.msk $0xffff, v2;
	s19 =	smov.u32 s17;
	s17 =	sadd.s32 $0x4, s17  }
.Ltmp3:
0x32: {  	v2 =	vld [tilespmem:s18+$0xFFFFFFF0];
	[tilespmem:s15+$0x1020 ss:$0x81] =	vst.msk $0xffff, v0;
	(pc) =	sbr.rel @p1 .LBB1_3-.Ltmp3, $4  }
0x33: {  	v0 =	vld [tilespmem:s18+$0x0];
	[tilespmem:s15+$0x0 ss:$0x81] =	vst.msk $0xffff, v1  }
0x34: {  	s15 =	sshra.s32 s19, $0x2;
	v1 =	vld [tilespmem:s18+$0xFFFFFFE0]  }
0x35: {  	s15 =	sadd.s32 s15, s16  }
0x36: {  	s18 =	sadd.s32 $0x40, s18;
	[tilespmem:s15+$0x1830 ss:$0x81] =	vst.msk $0xffff, v3  }
.Ltmp4:
0x37: {  	_ = 	snop;
	(pc) =	sbr.rel .LBB1_4-.Ltmp4, $1  }
0x38: {  	_ =	sdelay $0x3  }
.LBB1_6:
0x39: {  	_ =	sfence.sel $0x180000  }
0x3a: {  	s2 =	simm.s32 $0x1;
	[bflag:$0x0] =	sbarrier.arrive $0xFFFF  }
0x3b: {  	s31 =	simm.s32 $0x2;
	[sflag:s2] =	ssyncpa.u1 $0x1  }
0x3c: {  	[sflag:s31] =	ssyncpa.u1 $0x1  }
0x3d: {  	p0 =	sne.s32 s0, $0x0;
	_ =	strace $0x9000004A  }
0x3e: {  	s0 =	sadd.s32 @!p0 $0x100000, s1;
	[bflag:$0x2] =	sbarrier.arrive $0xFFFF  }
0x3f: {  	[sflag:s0] =	ssyncadd.tile.s32 @!p0 $0x1;
	_ =	shalt  }
.Lfunc_end1:
_tile_overlayer_lowered:
.L_overlay_start_2:
0x40: {  	(tag) =	ssettag $0x2  }
0x41: {  	s0 =	rddreg [dreg:$0x0];
	s2 =	stileid.u32  }
0x42: {  	s1 =	rddreg [dreg:$0x1];
	p0 =	sne.s32 s2, $0x0  }
0x43: {  	s3 =	rddreg [dreg:$0x2];
	[bflag:$0x3] =	sbarrier.arrive $0xFFFF;
	s2 =	simm.s32 @!p0 $0x1C01  }
0x44: {  	[timem:s3], [sflag:s2] =	dma.local @!p0 [hbm:s0], s1  }
0x45: {  	s0 =	simm.s32 @!p0 $0x1  }
0x46: {  	_ =	swait.ge @!p0 [sflag:s0], s1  }
0x47: {  	s1 =	ssub.s32 @!p0 $0x0, s1;
	[sflag:s0] =	ssyncset.done @!p0 $0x0  }
0x48: {  	[sflag:s0] =	ssyncadd.s32 @!p0 s1  }
0x49: {  	[bflag:$0x3] =	sbarrier.arrive $0xFFFF  }
0x4a: {  	_ =	shalt  }

</sc_bundles>
